<compile_context>
chip_gen: v7x
topology: tpu7x:2x2x1
jax: 0.10.2.dev20260603
libtpu: 0.0.44.dev20260713+nightly
codegen_flags: <defaults>
</compile_context>

<pallas_src>
import functools

import jax
import jax.numpy as jnp
from jax import lax
from jax.experimental import pallas as pl
from jax.experimental.pallas import tpu as pltpu
from jax.experimental.pallas import tpu_sc as plsc

L = 16
NC = 2
NS = 16
NW = NC * NS
R = 2

CE = 2000
KB = 64
NEG_INF = float("-inf")


def _seg_agg_kernel(n_pad, e_total, d):
    n_half = n_pad // R
    n_w = n_half // NW
    n_core = n_w * NS
    n_chunks = e_total // CE
    dv = d // L

    mesh = plsc.VectorSubcoreMesh(core_axis_name="c", subcore_axis_name="s")

    @functools.partial(
        pl.kernel,
        out_type=(
            jax.ShapeDtypeStruct((n_pad, d), jnp.float32),
            jax.ShapeDtypeStruct((n_pad, d), jnp.float32),
        ),
        mesh=mesh,
        compiler_params=pltpu.CompilerParams(needs_layout_passes=False),
        scratch_types=dict(
            erow=pltpu.VMEM((CE,), jnp.int32),
            ecol=pltpu.VMEM((CE,), jnp.int32),
            crow=pltpu.VMEM((CE + KB,), jnp.int32),
            cmax=pltpu.VMEM((CE + KB,), jnp.int32),
            rbuf=pltpu.VMEM((KB, d), jnp.float32),
            amax=pltpu.VMEM((n_w + 1, d), jnp.float32),
            asum=pltpu.VMEM((n_w + 1, d), jnp.float32),
            sem=pltpu.SemaphoreType.DMA,
        ),
    )
    def seg_agg(row_hbm, col_hbm, x_hbm, out_sum, out_max,
                erow, ecol, crow, cmax, rbuf, amax, asum, sem):
        c = lax.axis_index("c")
        s = lax.axis_index("s")
        zeros = jnp.zeros((L,), jnp.float32)
        ninf = jnp.full((L,), NEG_INF, jnp.float32)
        lane = jnp.arange(L, dtype=jnp.int32)
        trash = CE + KB - L

        def pass_body(r, _):
            lo = r * n_half + c * n_core + s * n_w

            def init_row(i, _):
                for t in range(dv):
                    amax[i, pl.ds(t * L, L)] = ninf
                    asum[i, pl.ds(t * L, L)] = zeros
                return 0
            lax.fori_loop(0, n_w + 1, init_row, 0)

            def chunk_body(ci, _):
                pltpu.sync_copy(row_hbm.at[pl.ds(ci * CE, CE)], erow)
                pltpu.sync_copy(col_hbm.at[pl.ds(ci * CE, CE)], ecol)

                def filt(g, m):
                    col = ecol[pl.ds(g * L, L)]
                    rel = col - lo
                    mask = (rel >= 0) & (rel < n_w)
                    row = erow[pl.ds(g * L, L)]
                    cnt = jnp.where(mask, 1, 0)
                    for k in (1, 2, 4, 8):
                        sh = cnt.at[jnp.maximum(lane - k, 0)].get(
                            mode='promise_in_bounds')
                        cnt = cnt + jnp.where(lane >= k, sh, 0)
                    slot = jnp.where(mask, m + cnt - 1, trash + lane)
                    plsc.store_scatter(crow, [slot], row)
                    plsc.store_scatter(cmax, [slot], rel)
                    return m + cnt[L - 1]
                m = lax.fori_loop(0, CE // L, filt, 0)

                zi = jnp.zeros((L,), jnp.int32)
                ti = jnp.full((L,), n_w, jnp.int32)
                for t in range(KB // L):
                    crow[pl.ds(m + t * L, L)] = zi
                    cmax[pl.ds(m + t * L, L)] = ti

                nb = (m + KB - 1) // KB

                def batch(bi, _):
                    k0 = bi * KB
                    pltpu.async_copy(
                        x_hbm.at[crow.at[pl.ds(k0, KB)]], rbuf, sem).wait()
                    def edge(j, _):
                        rr = cmax[pl.ds(k0 + j, L)][0]
                        for t in range(dv):
                            sl = pl.ds(t * L, L)
                            v = rbuf[j, sl]
                            amax[rr, sl] = jnp.maximum(amax[rr, sl], v)
                            asum[rr, sl] = asum[rr, sl] + v
                        return 0
                    lax.fori_loop(0, KB, edge, 0)
                    return 0
                lax.fori_loop(0, nb, batch, 0)
                return 0
            lax.fori_loop(0, n_chunks, chunk_body, 0)

            def fix_row(i, _):
                for t in range(dv):
                    sl = pl.ds(t * L, L)
                    v = amax[i, sl]
                    amax[i, sl] = jnp.where(v == NEG_INF, 0.0, v)
                return 0
            lax.fori_loop(0, n_w, fix_row, 0)

            pltpu.sync_copy(amax.at[pl.ds(0, n_w)],
                            out_max.at[pl.ds(lo, n_w)])
            pltpu.sync_copy(asum.at[pl.ds(0, n_w)],
                            out_sum.at[pl.ds(lo, n_w)])
            return 0
        lax.fori_loop(0, R, pass_body, 0)

    return seg_agg


def _merge_kernel(n_pad, d):
    blk = 512
    grid = n_pad // blk

    def body(x_ref, s_ref, m_ref, w1_ref, w2_ref, b_ref, o_ref):
        acc = jnp.dot(s_ref[...], w1_ref[...],
                      preferred_element_type=jnp.float32)
        acc += jnp.dot(m_ref[...], w2_ref[...],
                       preferred_element_type=jnp.float32)
        o_ref[...] = acc + x_ref[...] + b_ref[...]

    return pl.pallas_call(
        body,
        grid=(grid,),
        in_specs=[
            pl.BlockSpec((blk, d), lambda i: (i, 0)),
            pl.BlockSpec((blk, d), lambda i: (i, 0)),
            pl.BlockSpec((blk, d), lambda i: (i, 0)),
            pl.BlockSpec((d, d), lambda i: (0, 0)),
            pl.BlockSpec((d, d), lambda i: (0, 0)),
            pl.BlockSpec((1, d), lambda i: (0, 0)),
        ],
        out_specs=pl.BlockSpec((blk, d), lambda i: (i, 0)),
        out_shape=jax.ShapeDtypeStruct((n_pad, d), jnp.float32),
    )


def kernel(x, edge_index, merge_W, merge_b):
    n, d = x.shape
    e_total = edge_index.shape[1]
    mult = R * NW * KB // 4
    n_pad = ((n + mult - 1) // mult) * mult

    row = edge_index[0]
    col = edge_index[1]

    agg_sum, agg_max = _seg_agg_kernel(n_pad, e_total, d)(row, col, x)

    x_pad = jnp.pad(x, ((0, n_pad - n), (0, 0)))
    w1 = merge_W[:d]
    w2 = merge_W[d:]
    out = _merge_kernel(n_pad, d)(
        x_pad, agg_sum, agg_max, w1, w2, merge_b.reshape(1, d))
    return out[:n]

# --- scband reference (transcript-rebuilt; emitter-appended) ---
"""Pipeline reference for scband-graph-conv-14104672600321 (READ-ONLY COPY).

The authoritative reference and input builder live on the scoring server;
editing this copy changes nothing except your own understanding.
"""

import jax, jax.numpy as jnp
import numpy as np

N = 10000
E = 160000
D = 256


def setup_inputs(seed: int = 0) -> dict:
    key = jax.random.key(seed)
    k1, k2, k3, k4 = jax.random.split(key, 4)
    x = jax.random.normal(k1, (N, D), dtype=jnp.float32)
    edge_index = jax.random.randint(k2, (2, E), 0, N).astype(jnp.int32)
    # merge_layer: nn.Linear(in_features=2*D, out_features=D); torch default init
    bound = 1.0 / np.sqrt(2 * D)
    merge_W = jax.random.uniform(k3, (2 * D, D), minval=-bound, maxval=bound, dtype=jnp.float32)
    merge_b = jax.random.uniform(k4, (D,), minval=-bound, maxval=bound, dtype=jnp.float32)
    return {"x": x, "edge_index": edge_index, "merge_W": merge_W, "merge_b": merge_b}


def reference(x, edge_index, merge_W, merge_b):
    # GraphConv forward with aggregation_methods=('sum','max'),
    # merge='cat' (-> merge_layer Linear(2D->D)), update='sum', backbone=None.
    row = edge_index[0]
    col = edge_index[1]
    # message passing: gather source-node features along edges
    msgs = jnp.take(x, row, axis=0)  # [E, D]
    # 'sum' aggregation at destination nodes
    agg_sum = jax.ops.segment_sum(msgs, col, num_segments=N)  # [N, D]
    # 'max' aggregation at destination nodes (empty segments -> -inf -> 0)
    agg_max = jax.ops.segment_max(msgs, col, num_segments=N)  # [N, D]
    agg_max = jnp.where(jnp.isneginf(agg_max), 0.0, agg_max)
    # merge multiple aggregations via 'cat' + merge_layer
    merged = jnp.concatenate([agg_sum, agg_max], axis=-1) @ merge_W + merge_b  # [N, D]
    # update_method == 'sum': combine center node feature with aggregated neighbor feature
    out = x + merged
    return out

if __name__ == "__main__":
    import jax
    _d = setup_inputs()
    print(jax.jit(kernel)(*tuple(_d.values())))

</pallas_src>

<mosaic_0001>
#map = affine_map<(d0, d1) -> (0)>
#map1 = affine_map<(d0, d1) -> (0, 0)>
module attributes {stable_mosaic.version = 14 : i64} {
  func.func @seg_agg(%arg0: i32, %arg1: i32, %arg2: memref<160000xi32, #tpu.memory_space<hbm>>, %arg3: memref<160000xi32, #tpu.memory_space<hbm>>, %arg4: memref<10000x256xf32, #tpu.memory_space<hbm>>, %arg5: memref<10240x256xf32, #tpu.memory_space<hbm>>, %arg6: memref<10240x256xf32, #tpu.memory_space<hbm>>, %arg7: memref<161x256xf32, #tpu.memory_space<vmem>>, %arg8: memref<161x256xf32, #tpu.memory_space<vmem>>, %arg9: memref<2064xi32, #tpu.memory_space<vmem>>, %arg10: memref<2064xi32, #tpu.memory_space<vmem>>, %arg11: memref<2000xi32, #tpu.memory_space<vmem>>, %arg12: memref<2000xi32, #tpu.memory_space<vmem>>, %arg13: memref<64x256xf32, #tpu.memory_space<vmem>>, %arg14: memref<!tpu.dma_semaphore, #tpu.memory_space<semaphore_mem>>) attributes {dimension_semantics = [#tpu.dimension_semantics<core_parallel>, #tpu.dimension_semantics<subcore_parallel>], iteration_bounds = array<i64: 2, 16>, scalar_prefetch = 0 : i64, scratch_operands = 8 : i64, tpu.core_type = #tpu.core_type<sc_vector_subcore>, window_params = [{transform_indices = #map}, {transform_indices = #map}, {transform_indices = #map1}, {transform_indices = #map1}, {transform_indices = #map1}]} {
    %broadcast_in_dim3A = arith.constant 0.000000e+00 : f32
    %broadcast_in_dim3A_0 = vector.broadcast %broadcast_in_dim3A : f32 to vector<16xf32>
    %broadcast_in_dim3A_1 = arith.constant 0xFF800000 : f32
    %broadcast_in_dim3A_2 = vector.broadcast %broadcast_in_dim3A_1 : f32 to vector<16xf32>
    %iota3A = tpu.iota {dimensions = array<i32: 0>} : vector<16xi32>
    %scan3A = arith.constant 0 : i32
    %scan3A_3 = arith.constant 0 : i32
    %scan3A_4 = arith.constant 2 : i32
    %scan3A_5 = arith.addi %scan3A_3, %scan3A_4 : i32
    %scan3A_6 = arith.constant 1 : i32
    %scan3A_7 = scf.for %scan3A_9 = %scan3A_3 to %scan3A_5 step %scan3A_6 iter_args(%scan3A_10 = %scan3A) -> (i32)  : i32 {
      %mul3A = arith.constant 5120 : i32
      %mul3A_11 = arith.muli %scan3A_9, %mul3A : i32
      %mul3A_12 = arith.constant 2560 : i32
      %mul3A_13 = arith.muli %arg0, %mul3A_12 : i32
      %add3A = arith.addi %mul3A_11, %mul3A_13 : i32
      %mul3A_14 = arith.constant 160 : i32
      %mul3A_15 = arith.muli %arg1, %mul3A_14 : i32
      %add3A_16 = arith.addi %add3A, %mul3A_15 : i32
      %scan3A_17 = arith.constant 0 : i32
      %scan3A_18 = arith.constant 0 : i32
      %scan3A_19 = arith.constant 161 : i32
      %scan3A_20 = arith.addi %scan3A_18, %scan3A_19 : i32
      %scan3A_21 = arith.constant 1 : i32
      %scan3A_22 = scf.for %scan3A_39 = %scan3A_18 to %scan3A_20 step %scan3A_21 iter_args(%scan3A_40 = %scan3A_17) -> (i32)  : i32 {
        %swap3A = arith.index_cast %scan3A_39 : i32 to index
        %swap3A_41 = arith.constant 0 : index
        %swap3A_42 = tpu.vector_load %arg7[%swap3A, %swap3A_41] {strides = array<i32>} : memref<161x256xf32, #tpu.memory_space<vmem>>, vector<16xf32>,
        tpu.vector_store %arg7[%swap3A, %swap3A_41], %broadcast_in_dim3A_2 {strides = array<i32>} : memref<161x256xf32, #tpu.memory_space<vmem>>, vector<16xf32>,
        %swap3A_43 = arith.index_cast %scan3A_39 : i32 to index
        %swap3A_44 = arith.constant 0 : index
        %swap3A_45 = tpu.vector_load %arg8[%swap3A_43, %swap3A_44] {strides = array<i32>} : memref<161x256xf32, #tpu.memory_space<vmem>>, vector<16xf32>,
        tpu.vector_store %arg8[%swap3A_43, %swap3A_44], %broadcast_in_dim3A_0 {strides = array<i32>} : memref<161x256xf32, #tpu.memory_space<vmem>>, vector<16xf32>,
        %swap3A_46 = arith.index_cast %scan3A_39 : i32 to index
        %swap3A_47 = arith.constant 16 : index
        %swap3A_48 = tpu.vector_load %arg7[%swap3A_46, %swap3A_47] {strides = array<i32>} : memref<161x256xf32, #tpu.memory_space<vmem>>, vector<16xf32>,
        tpu.vector_store %arg7[%swap3A_46, %swap3A_47], %broadcast_in_dim3A_2 {strides = array<i32>} : memref<161x256xf32, #tpu.memory_space<vmem>>, vector<16xf32>,
        %swap3A_49 = arith.index_cast %scan3A_39 : i32 to index
        %swap3A_50 = arith.constant 16 : index
        %swap3A_51 = tpu.vector_load %arg8[%swap3A_49, %swap3A_50] {strides = array<i32>} : memref<161x256xf32, #tpu.memory_space<vmem>>, vector<16xf32>,
        tpu.vector_store %arg8[%swap3A_49, %swap3A_50], %broadcast_in_dim3A_0 {strides = array<i32>} : memref<161x256xf32, #tpu.memory_space<vmem>>, vector<16xf32>,
        %swap3A_52 = arith.index_cast %scan3A_39 : i32 to index
        %swap3A_53 = arith.constant 32 : index
        %swap3A_54 = tpu.vector_load %arg7[%swap3A_52, %swap3A_53] {strides = array<i32>} : memref<161x256xf32, #tpu.memory_space<vmem>>, vector<16xf32>,
        tpu.vector_store %arg7[%swap3A_52, %swap3A_53], %broadcast_in_dim3A_2 {strides = array<i32>} : memref<161x256xf32, #tpu.memory_space<vmem>>, vector<16xf32>,
        %swap3A_55 = arith.index_cast %scan3A_39 : i32 to index
        %swap3A_56 = arith.constant 32 : index
        %swap3A_57 = tpu.vector_load %arg8[%swap3A_55, %swap3A_56] {strides = array<i32>} : memref<161x256xf32, #tpu.memory_space<vmem>>, vector<16xf32>,
        tpu.vector_store %arg8[%swap3A_55, %swap3A_56], %broadcast_in_dim3A_0 {strides = array<i32>} : memref<161x256xf32, #tpu.memory_space<vmem>>, vector<16xf32>,
        %swap3A_58 = arith.index_cast %scan3A_39 : i32 to index
        %swap3A_59 = arith.constant 48 : index
        %swap3A_60 = tpu.vector_load %arg7[%swap3A_58, %swap3A_59] {strides = array<i32>} : memref<161x256xf32, #tpu.memory_space<vmem>>, vector<16xf32>,
        tpu.vector_store %arg7[%swap3A_58, %swap3A_59], %broadcast_in_dim3A_2 {strides = array<i32>} : memref<161x256xf32, #tpu.memory_space<vmem>>, vector<16xf32>,
        %swap3A_61 = arith.index_cast %scan3A_39 : i32 to index
        %swap3A_62 = arith.constant 48 : index
        %swap3A_63 = tpu.vector_load %arg8[%swap3A_61, %swap3A_62] {strides = array<i32>} : memref<161x256xf32, #tpu.memory_space<vmem>>, vector<16xf32>,
        tpu.vector_store %arg8[%swap3A_61, %swap3A_62], %broadcast_in_dim3A_0 {strides = array<i32>} : memref<161x256xf32, #tpu.memory_space<vmem>>, vector<16xf32>,
        %swap3A_64 = arith.index_cast %scan3A_39 : i32 to index
        %swap3A_65 = arith.constant 64 : index
        %swap3A_66 = tpu.vector_load %arg7[%swap3A_64, %swap3A_65] {strides = array<i32>} : memref<161x256xf32, #tpu.memory_space<vmem>>, vector<16xf32>,
        tpu.vector_store %arg7[%swap3A_64, %swap3A_65], %broadcast_in_dim3A_2 {strides = array<i32>} : memref<161x256xf32, #tpu.memory_space<vmem>>, vector<16xf32>,
        %swap3A_67 = arith.index_cast %scan3A_39 : i32 to index
        %swap3A_68 = arith.constant 64 : index
        %swap3A_69 = tpu.vector_load %arg8[%swap3A_67, %swap3A_68] {strides = array<i32>} : memref<161x256xf32, #tpu.memory_space<vmem>>, vector<16xf32>,
        tpu.vector_store %arg8[%swap3A_67, %swap3A_68], %broadcast_in_dim3A_0 {strides = array<i32>} : memref<161x256xf32, #tpu.memory_space<vmem>>, vector<16xf32>,
        %swap3A_70 = arith.index_cast %scan3A_39 : i32 to index
        %swap3A_71 = arith.constant 80 : index
        %swap3A_72 = tpu.vector_load %arg7[%swap3A_70, %swap3A_71] {strides = array<i32>} : memref<161x256xf32, #tpu.memory_space<vmem>>, vector<16xf32>,
        tpu.vector_store %arg7[%swap3A_70, %swap3A_71], %broadcast_in_dim3A_2 {strides = array<i32>} : memref<161x256xf32, #tpu.memory_space<vmem>>, vector<16xf32>,
        %swap3A_73 = arith.index_cast %scan3A_39 : i32 to index
        %swap3A_74 = arith.constant 80 : index
        %swap3A_75 = tpu.vector_load %arg8[%swap3A_73, %swap3A_74] {strides = array<i32>} : memref<161x256xf32, #tpu.memory_space<vmem>>, vector<16xf32>,
        tpu.vector_store %arg8[%swap3A_73, %swap3A_74], %broadcast_in_dim3A_0 {strides = array<i32>} : memref<161x256xf32, #tpu.memory_space<vmem>>, vector<16xf32>,
        %swap3A_76 = arith.index_cast %scan3A_39 : i32 to index
        %swap3A_77 = arith.constant 96 : index
        %swap3A_78 = tpu.vector_load %arg7[%swap3A_76, %swap3A_77] {strides = array<i32>} : memref<161x256xf32, #tpu.memory_space<vmem>>, vector<16xf32>,
        tpu.vector_store %arg7[%swap3A_76, %swap3A_77], %broadcast_in_dim3A_2 {strides = array<i32>} : memref<161x256xf32, #tpu.memory_space<vmem>>, vector<16xf32>,
        %swap3A_79 = arith.index_cast %scan3A_39 : i32 to index
        %swap3A_80 = arith.constant 96 : index
        %swap3A_81 = tpu.vector_load %arg8[%swap3A_79, %swap3A_80] {strides = array<i32>} : memref<161x256xf32, #tpu.memory_space<vmem>>, vector<16xf32>,
        tpu.vector_store %arg8[%swap3A_79, %swap3A_80], %broadcast_in_dim3A_0 {strides = array<i32>} : memref<161x256xf32, #tpu.memory_space<vmem>>, vector<16xf32>,
        %swap3A_82 = arith.index_cast %scan3A_39 : i32 to index
        %swap3A_83 = arith.constant 112 : index
        %swap3A_84 = tpu.vector_load %arg7[%swap3A_82, %swap3A_83] {strides = array<i32>} : memref<161x256xf32, #tpu.memory_space<vmem>>, vector<16xf32>,
        tpu.vector_store %arg7[%swap3A_82, %swap3A_83], %broadcast_in_dim3A_2 {strides = array<i32>} : memref<161x256xf32, #tpu.memory_space<vmem>>, vector<16xf32>,
        %swap3A_85 = arith.index_cast %scan3A_39 : i32 to index
        %swap3A_86 = arith.constant 112 : index
        %swap3A_87 = tpu.vector_load %arg8[%swap3A_85, %swap3A_86] {strides = array<i32>} : memref<161x256xf32, #tpu.memory_space<vmem>>, vector<16xf32>,
        tpu.vector_store %arg8[%swap3A_85, %swap3A_86], %broadcast_in_dim3A_0 {strides = array<i32>} : memref<161x256xf32, #tpu.memory_space<vmem>>, vector<16xf32>,
        %swap3A_88 = arith.index_cast %scan3A_39 : i32 to index
        %swap3A_89 = arith.constant 128 : index
        %swap3A_90 = tpu.vector_load %arg7[%swap3A_88, %swap3A_89] {strides = array<i32>} : memref<161x256xf32, #tpu.memory_space<vmem>>, vector<16xf32>,
        tpu.vector_store %arg7[%swap3A_88, %swap3A_89], %broadcast_in_dim3A_2 {strides = array<i32>} : memref<161x256xf32, #tpu.memory_space<vmem>>, vector<16xf32>,
        %swap3A_91 = arith.index_cast %scan3A_39 : i32 to index
        %swap3A_92 = arith.constant 128 : index
        %swap3A_93 = tpu.vector_load %arg8[%swap3A_91, %swap3A_92] {strides = array<i32>} : memref<161x256xf32, #tpu.memory_space<vmem>>, vector<16xf32>,
        tpu.vector_store %arg8[%swap3A_91, %swap3A_92], %broadcast_in_dim3A_0 {strides = array<i32>} : memref<161x256xf32, #tpu.memory_space<vmem>>, vector<16xf32>,
        %swap3A_94 = arith.index_cast %scan3A_39 : i32 to index
        %swap3A_95 = arith.constant 144 : index
        %swap3A_96 = tpu.vector_load %arg7[%swap3A_94, %swap3A_95] {strides = array<i32>} : memref<161x256xf32, #tpu.memory_space<vmem>>, vector<16xf32>,
        tpu.vector_store %arg7[%swap3A_94, %swap3A_95], %broadcast_in_dim3A_2 {strides = array<i32>} : memref<161x256xf32, #tpu.memory_space<vmem>>, vector<16xf32>,
        %swap3A_97 = arith.index_cast %scan3A_39 : i32 to index
        %swap3A_98 = arith.constant 144 : index
        %swap3A_99 = tpu.vector_load %arg8[%swap3A_97, %swap3A_98] {strides = array<i32>} : memref<161x256xf32, #tpu.memory_space<vmem>>, vector<16xf32>,
        tpu.vector_store %arg8[%swap3A_97, %swap3A_98], %broadcast_in_dim3A_0 {strides = array<i32>} : memref<161x256xf32, #tpu.memory_space<vmem>>, vector<16xf32>,
        %swap3A_100 = arith.index_cast %scan3A_39 : i32 to index
        %swap3A_101 = arith.constant 160 : index
        %swap3A_102 = tpu.vector_load %arg7[%swap3A_100, %swap3A_101] {strides = array<i32>} : memref<161x256xf32, #tpu.memory_space<vmem>>, vector<16xf32>,
        tpu.vector_store %arg7[%swap3A_100, %swap3A_101], %broadcast_in_dim3A_2 {strides = array<i32>} : memref<161x256xf32, #tpu.memory_space<vmem>>, vector<16xf32>,
        %swap3A_103 = arith.index_cast %scan3A_39 : i32 to index
        %swap3A_104 = arith.constant 160 : index
        %swap3A_105 = tpu.vector_load %arg8[%swap3A_103, %swap3A_104] {strides = array<i32>} : memref<161x256xf32, #tpu.memory_space<vmem>>, vector<16xf32>,
        tpu.vector_store %arg8[%swap3A_103, %swap3A_104], %broadcast_in_dim3A_0 {strides = array<i32>} : memref<161x256xf32, #tpu.memory_space<vmem>>, vector<16xf32>,
        %swap3A_106 = arith.index_cast %scan3A_39 : i32 to index
        %swap3A_107 = arith.constant 176 : index
        %swap3A_108 = tpu.vector_load %arg7[%swap3A_106, %swap3A_107] {strides = array<i32>} : memref<161x256xf32, #tpu.memory_space<vmem>>, vector<16xf32>,
        tpu.vector_store %arg7[%swap3A_106, %swap3A_107], %broadcast_in_dim3A_2 {strides = array<i32>} : memref<161x256xf32, #tpu.memory_space<vmem>>, vector<16xf32>,
        %swap3A_109 = arith.index_cast %scan3A_39 : i32 to index
        %swap3A_110 = arith.constant 176 : index
        %swap3A_111 = tpu.vector_load %arg8[%swap3A_109, %swap3A_110] {strides = array<i32>} : memref<161x256xf32, #tpu.memory_space<vmem>>, vector<16xf32>,
        tpu.vector_store %arg8[%swap3A_109, %swap3A_110], %broadcast_in_dim3A_0 {strides = array<i32>} : memref<161x256xf32, #tpu.memory_space<vmem>>, vector<16xf32>,
        %swap3A_112 = arith.index_cast %scan3A_39 : i32 to index
        %swap3A_113 = arith.constant 192 : index
        %swap3A_114 = tpu.vector_load %arg7[%swap3A_112, %swap3A_113] {strides = array<i32>} : memref<161x256xf32, #tpu.memory_space<vmem>>, vector<16xf32>,
        tpu.vector_store %arg7[%swap3A_112, %swap3A_113], %broadcast_in_dim3A_2 {strides = array<i32>} : memref<161x256xf32, #tpu.memory_space<vmem>>, vector<16xf32>,
        %swap3A_115 = arith.index_cast %scan3A_39 : i32 to index
        %swap3A_116 = arith.constant 192 : index
        %swap3A_117 = tpu.vector_load %arg8[%swap3A_115, %swap3A_116] {strides = array<i32>} : memref<161x256xf32, #tpu.memory_space<vmem>>, vector<16xf32>,
        tpu.vector_store %arg8[%swap3A_115, %swap3A_116], %broadcast_in_dim3A_0 {strides = array<i32>} : memref<161x256xf32, #tpu.memory_space<vmem>>, vector<16xf32>,
        %swap3A_118 = arith.index_cast %scan3A_39 : i32 to index
        %swap3A_119 = arith.constant 208 : index
        %swap3A_120 = tpu.vector_load %arg7[%swap3A_118, %swap3A_119] {strides = array<i32>} : memref<161x256xf32, #tpu.memory_space<vmem>>, vector<16xf32>,
        tpu.vector_store %arg7[%swap3A_118, %swap3A_119], %broadcast_in_dim3A_2 {strides = array<i32>} : memref<161x256xf32, #tpu.memory_space<vmem>>, vector<16xf32>,
        %swap3A_121 = arith.index_cast %scan3A_39 : i32 to index
        %swap3A_122 = arith.constant 208 : index
        %swap3A_123 = tpu.vector_load %arg8[%swap3A_121, %swap3A_122] {strides = array<i32>} : memref<161x256xf32, #tpu.memory_space<vmem>>, vector<16xf32>,
        tpu.vector_store %arg8[%swap3A_121, %swap3A_122], %broadcast_in_dim3A_0 {strides = array<i32>} : memref<161x256xf32, #tpu.memory_space<vmem>>, vector<16xf32>,
        %swap3A_124 = arith.index_cast %scan3A_39 : i32 to index
        %swap3A_125 = arith.constant 224 : index
        %swap3A_126 = tpu.vector_load %arg7[%swap3A_124, %swap3A_125] {strides = array<i32>} : memref<161x256xf32, #tpu.memory_space<vmem>>, vector<16xf32>,
        tpu.vector_store %arg7[%swap3A_124, %swap3A_125], %broadcast_in_dim3A_2 {strides = array<i32>} : memref<161x256xf32, #tpu.memory_space<vmem>>, vector<16xf32>,
        %swap3A_127 = arith.index_cast %scan3A_39 : i32 to index
        %swap3A_128 = arith.constant 224 : index
        %swap3A_129 = tpu.vector_load %arg8[%swap3A_127, %swap3A_128] {strides = array<i32>} : memref<161x256xf32, #tpu.memory_space<vmem>>, vector<16xf32>,
        tpu.vector_store %arg8[%swap3A_127, %swap3A_128], %broadcast_in_dim3A_0 {strides = array<i32>} : memref<161x256xf32, #tpu.memory_space<vmem>>, vector<16xf32>,
        %swap3A_130 = arith.index_cast %scan3A_39 : i32 to index
        %swap3A_131 = arith.constant 240 : index
        %swap3A_132 = tpu.vector_load %arg7[%swap3A_130, %swap3A_131] {strides = array<i32>} : memref<161x256xf32, #tpu.memory_space<vmem>>, vector<16xf32>,
        tpu.vector_store %arg7[%swap3A_130, %swap3A_131], %broadcast_in_dim3A_2 {strides = array<i32>} : memref<161x256xf32, #tpu.memory_space<vmem>>, vector<16xf32>,
        %swap3A_133 = arith.index_cast %scan3A_39 : i32 to index
        %swap3A_134 = arith.constant 240 : index
        %swap3A_135 = tpu.vector_load %arg8[%swap3A_133, %swap3A_134] {strides = array<i32>} : memref<161x256xf32, #tpu.memory_space<vmem>>, vector<16xf32>,
        tpu.vector_store %arg8[%swap3A_133, %swap3A_134], %broadcast_in_dim3A_0 {strides = array<i32>} : memref<161x256xf32, #tpu.memory_space<vmem>>, vector<16xf32>,
        %scan3A_136 = arith.constant 0 : i32
        scf.yield %scan3A_136 : i32
      }
      %scan3A_23 = arith.constant 161 : i32
      %scan3A_24 = arith.constant 0 : i32
      %scan3A_25 = arith.constant 0 : i32
      %scan3A_26 = arith.constant 80 : i32
      %scan3A_27 = arith.addi %scan3A_25, %scan3A_26 : i32
      %scan3A_28 = arith.constant 1 : i32
      %scan3A_29 = scf.for %scan3A_39 = %scan3A_25 to %scan3A_27 step %scan3A_28 iter_args(%scan3A_40 = %scan3A_24) -> (i32)  : i32 {
        %mul3A_41 = arith.constant 2000 : i32
        %mul3A_42 = arith.muli %scan3A_39, %mul3A_41 : i32
        "tpu.region"() ({
          %run_scoped3A = tpu.sem_alloc : memref<!tpu.dma_semaphore, #tpu.memory_space<semaphore_mem>>
          %dma_start3A = tpu.memref_slice %arg2[%mul3A_42] : memref<160000xi32, #tpu.memory_space<hbm>> -> memref<2000xi32, #tpu.memory_space<hbm>>
          %dma_start3A_119 = tpu.memref_slice %arg2[%mul3A_42] : memref<160000xi32, #tpu.memory_space<hbm>> -> memref<2000xi32, #tpu.memory_space<hbm>>
          tpu.enqueue_dma source(%dma_start3A_119 : memref<2000xi32, #tpu.memory_space<hbm>>) target(%arg12 : memref<2000xi32, #tpu.memory_space<vmem>>) target_semaphore(%run_scoped3A : memref<!tpu.dma_semaphore, #tpu.memory_space<semaphore_mem>>)
          %dma_wait3A = tpu.memref_slice %arg2[%mul3A_42] : memref<160000xi32, #tpu.memory_space<hbm>> -> memref<2000xi32, #tpu.memory_space<hbm>>
          %dma_wait3A_120 = tpu.memref_slice %arg2[%mul3A_42] : memref<160000xi32, #tpu.memory_space<hbm>> -> memref<2000xi32, #tpu.memory_space<hbm>>
          tpu.wait_dma2 semaphore(%run_scoped3A : memref<!tpu.dma_semaphore, #tpu.memory_space<semaphore_mem>>) src(%dma_wait3A_120 : memref<2000xi32, #tpu.memory_space<hbm>>) dst(%arg12 : memref<2000xi32, #tpu.memory_space<vmem>>)
          tpu.yield
        }) : () -> ()
        %mul3A_43 = arith.constant 2000 : i32
        %mul3A_44 = arith.muli %scan3A_39, %mul3A_43 : i32
        "tpu.region"() ({
          %run_scoped3A = tpu.sem_alloc : memref<!tpu.dma_semaphore, #tpu.memory_space<semaphore_mem>>
          %dma_start3A = tpu.memref_slice %arg3[%mul3A_44] : memref<160000xi32, #tpu.memory_space<hbm>> -> memref<2000xi32, #tpu.memory_space<hbm>>
          %dma_start3A_119 = tpu.memref_slice %arg3[%mul3A_44] : memref<160000xi32, #tpu.memory_space<hbm>> -> memref<2000xi32, #tpu.memory_space<hbm>>
          tpu.enqueue_dma source(%dma_start3A_119 : memref<2000xi32, #tpu.memory_space<hbm>>) target(%arg11 : memref<2000xi32, #tpu.memory_space<vmem>>) target_semaphore(%run_scoped3A : memref<!tpu.dma_semaphore, #tpu.memory_space<semaphore_mem>>)
          %dma_wait3A = tpu.memref_slice %arg3[%mul3A_44] : memref<160000xi32, #tpu.memory_space<hbm>> -> memref<2000xi32, #tpu.memory_space<hbm>>
          %dma_wait3A_120 = tpu.memref_slice %arg3[%mul3A_44] : memref<160000xi32, #tpu.memory_space<hbm>> -> memref<2000xi32, #tpu.memory_space<hbm>>
          tpu.wait_dma2 semaphore(%run_scoped3A : memref<!tpu.dma_semaphore, #tpu.memory_space<semaphore_mem>>) src(%dma_wait3A_120 : memref<2000xi32, #tpu.memory_space<hbm>>) dst(%arg11 : memref<2000xi32, #tpu.memory_space<vmem>>)
          tpu.yield
        }) : () -> ()
        %scan3A_45 = arith.constant 0 : i32
        %scan3A_46 = arith.constant 0 : i32
        %scan3A_47 = arith.constant 125 : i32
        %scan3A_48 = arith.addi %scan3A_46, %scan3A_47 : i32
        %scan3A_49 = arith.constant 1 : i32
        %scan3A_50 = scf.for %scan3A_119 = %scan3A_46 to %scan3A_48 step %scan3A_49 iter_args(%scan3A_120 = %scan3A_45) -> (i32)  : i32 {
          %mul3A_121 = arith.constant 16 : i32
          %mul3A_122 = arith.muli %scan3A_119, %mul3A_121 : i32
          %get3A = arith.index_cast %mul3A_122 : i32 to index
          %get3A_123 = tpu.vector_load %arg11[%get3A] {strides = array<i32>} : memref<2000xi32, #tpu.memory_space<vmem>>, vector<16xi32>,
          %sub3A_124 = vector.broadcast %add3A_16 : i32 to vector<16xi32>
          %sub3A_125 = arith.subi %get3A_123, %sub3A_124 : vector<16xi32>
          %ge3A = arith.constant 0 : i32
          %ge3A_126 = vector.broadcast %ge3A : i32 to vector<16xi32>
          %ge3A_127 = arith.cmpi sge, %sub3A_125, %ge3A_126 : vector<16xi32>
          %lt3A = arith.constant 160 : i32
          %lt3A_128 = vector.broadcast %lt3A : i32 to vector<16xi32>
          %lt3A_129 = arith.cmpi slt, %sub3A_125, %lt3A_128 : vector<16xi32>
          %and3A_130 = arith.andi %ge3A_127, %lt3A_129 : vector<16xi1>
          %mul3A_131 = arith.constant 16 : i32
          %mul3A_132 = arith.muli %scan3A_119, %mul3A_131 : i32
          %get3A_133 = arith.index_cast %mul3A_132 : i32 to index
          %get3A_134 = tpu.vector_load %arg12[%get3A_133] {strides = array<i32>} : memref<2000xi32, #tpu.memory_space<vmem>>, vector<16xi32>,
          %jit3A_135 = arith.constant 1 : i32
          %jit3A_136 = arith.constant 0 : i32
          %broadcast_in_dim3A_137 = vector.broadcast %jit3A_135 : i32 to vector<16xi32>
          %broadcast_in_dim3A_138 = vector.broadcast %jit3A_136 : i32 to vector<16xi32>
          %select_n3A_139 = arith.select %and3A_130, %broadcast_in_dim3A_137, %broadcast_in_dim3A_138 : vector<16xi1>, vector<16xi32>
          %sub3A_140 = arith.constant 1 : i32
          %sub3A_141 = vector.broadcast %sub3A_140 : i32 to vector<16xi32>
          %sub3A_142 = arith.subi %iota3A, %sub3A_141 : vector<16xi32>
          %max3A = arith.constant 0 : i32
          %max3A_143 = vector.broadcast %max3A : i32 to vector<16xi32>
          %max3A_144 = arith.maxsi %sub3A_142, %max3A_143 : vector<16xi32>
          %lt3A_145 = arith.constant 0 : i32
          %lt3A_146 = vector.broadcast %lt3A_145 : i32 to vector<16xi32>
          %lt3A_147 = arith.cmpi slt, %max3A_144, %lt3A_146 : vector<16xi32>
          %add3A_148 = arith.constant 16 : i32
          %add3A_149 = vector.broadcast %add3A_148 : i32 to vector<16xi32>
          %add3A_150 = arith.addi %max3A_144, %add3A_149 : vector<16xi32>
          %select_n3A_151 = arith.select %lt3A_147, %add3A_150, %max3A_144 : vector<16xi1>, vector<16xi32>
          %broadcast_in_dim3A_152 = vector.shape_cast %select_n3A_151 : vector<16xi32> to vector<16x1xi32>
          %gather3A = vector.shape_cast %broadcast_in_dim3A_152 : vector<16x1xi32> to vector<16xi32>
          %gather3A_153 = tpu.dynamic_gather %select_n3A_139[%gather3A] in [0] : vector<16xi32>, vector<16xi32> -> vector<16xi32>
          %ge3A_154 = arith.constant 1 : i32
          %ge3A_155 = vector.broadcast %ge3A_154 : i32 to vector<16xi32>
          %ge3A_156 = arith.cmpi sge, %iota3A, %ge3A_155 : vector<16xi32>
          %jit3A_157 = arith.constant 0 : i32
          %broadcast_in_dim3A_158 = vector.broadcast %jit3A_157 : i32 to vector<16xi32>
          %select_n3A_159 = arith.select %ge3A_156, %gather3A_153, %broadcast_in_dim3A_158 : vector<16xi1>, vector<16xi32>
          %add3A_160 = arith.addi %select_n3A_139, %select_n3A_159 : vector<16xi32>
          %sub3A_161 = arith.constant 2 : i32
          %sub3A_162 = vector.broadcast %sub3A_161 : i32 to vector<16xi32>
          %sub3A_163 = arith.subi %iota3A, %sub3A_162 : vector<16xi32>
          %max3A_164 = arith.constant 0 : i32
          %max3A_165 = vector.broadcast %max3A_164 : i32 to vector<16xi32>
          %max3A_166 = arith.maxsi %sub3A_163, %max3A_165 : vector<16xi32>
          %lt3A_167 = arith.constant 0 : i32
          %lt3A_168 = vector.broadcast %lt3A_167 : i32 to vector<16xi32>
          %lt3A_169 = arith.cmpi slt, %max3A_166, %lt3A_168 : vector<16xi32>
          %add3A_170 = arith.constant 16 : i32
          %add3A_171 = vector.broadcast %add3A_170 : i32 to vector<16xi32>
          %add3A_172 = arith.addi %max3A_166, %add3A_171 : vector<16xi32>
          %select_n3A_173 = arith.select %lt3A_169, %add3A_172, %max3A_166 : vector<16xi1>, vector<16xi32>
          %broadcast_in_dim3A_174 = vector.shape_cast %select_n3A_173 : vector<16xi32> to vector<16x1xi32>
          %gather3A_175 = vector.shape_cast %broadcast_in_dim3A_174 : vector<16x1xi32> to vector<16xi32>
          %gather3A_176 = tpu.dynamic_gather %add3A_160[%gather3A_175] in [0] : vector<16xi32>, vector<16xi32> -> vector<16xi32>
          %ge3A_177 = arith.constant 2 : i32
          %ge3A_178 = vector.broadcast %ge3A_177 : i32 to vector<16xi32>
          %ge3A_179 = arith.cmpi sge, %iota3A, %ge3A_178 : vector<16xi32>
          %jit3A_180 = arith.constant 0 : i32
          %broadcast_in_dim3A_181 = vector.broadcast %jit3A_180 : i32 to vector<16xi32>
          %select_n3A_182 = arith.select %ge3A_179, %gather3A_176, %broadcast_in_dim3A_181 : vector<16xi1>, vector<16xi32>
          %add3A_183 = arith.addi %add3A_160, %select_n3A_182 : vector<16xi32>
          %sub3A_184 = arith.constant 4 : i32
          %sub3A_185 = vector.broadcast %sub3A_184 : i32 to vector<16xi32>
          %sub3A_186 = arith.subi %iota3A, %sub3A_185 : vector<16xi32>
          %max3A_187 = arith.constant 0 : i32
          %max3A_188 = vector.broadcast %max3A_187 : i32 to vector<16xi32>
          %max3A_189 = arith.maxsi %sub3A_186, %max3A_188 : vector<16xi32>
          %lt3A_190 = arith.constant 0 : i32
          %lt3A_191 = vector.broadcast %lt3A_190 : i32 to vector<16xi32>
          %lt3A_192 = arith.cmpi slt, %max3A_189, %lt3A_191 : vector<16xi32>
          %add3A_193 = arith.constant 16 : i32
          %add3A_194 = vector.broadcast %add3A_193 : i32 to vector<16xi32>
          %add3A_195 = arith.addi %max3A_189, %add3A_194 : vector<16xi32>
          %select_n3A_196 = arith.select %lt3A_192, %add3A_195, %max3A_189 : vector<16xi1>, vector<16xi32>
          %broadcast_in_dim3A_197 = vector.shape_cast %select_n3A_196 : vector<16xi32> to vector<16x1xi32>
          %gather3A_198 = vector.shape_cast %broadcast_in_dim3A_197 : vector<16x1xi32> to vector<16xi32>
          %gather3A_199 = tpu.dynamic_gather %add3A_183[%gather3A_198] in [0] : vector<16xi32>, vector<16xi32> -> vector<16xi32>
          %ge3A_200 = arith.constant 4 : i32
          %ge3A_201 = vector.broadcast %ge3A_200 : i32 to vector<16xi32>
          %ge3A_202 = arith.cmpi sge, %iota3A, %ge3A_201 : vector<16xi32>
          %jit3A_203 = arith.constant 0 : i32
          %broadcast_in_dim3A_204 = vector.broadcast %jit3A_203 : i32 to vector<16xi32>
          %select_n3A_205 = arith.select %ge3A_202, %gather3A_199, %broadcast_in_dim3A_204 : vector<16xi1>, vector<16xi32>
          %add3A_206 = arith.addi %add3A_183, %select_n3A_205 : vector<16xi32>
          %sub3A_207 = arith.constant 8 : i32
          %sub3A_208 = vector.broadcast %sub3A_207 : i32 to vector<16xi32>
          %sub3A_209 = arith.subi %iota3A, %sub3A_208 : vector<16xi32>
          %max3A_210 = arith.constant 0 : i32
          %max3A_211 = vector.broadcast %max3A_210 : i32 to vector<16xi32>
          %max3A_212 = arith.maxsi %sub3A_209, %max3A_211 : vector<16xi32>
          %lt3A_213 = arith.constant 0 : i32
          %lt3A_214 = vector.broadcast %lt3A_213 : i32 to vector<16xi32>
          %lt3A_215 = arith.cmpi slt, %max3A_212, %lt3A_214 : vector<16xi32>
          %add3A_216 = arith.constant 16 : i32
          %add3A_217 = vector.broadcast %add3A_216 : i32 to vector<16xi32>
          %add3A_218 = arith.addi %max3A_212, %add3A_217 : vector<16xi32>
          %select_n3A_219 = arith.select %lt3A_215, %add3A_218, %max3A_212 : vector<16xi1>, vector<16xi32>
          %broadcast_in_dim3A_220 = vector.shape_cast %select_n3A_219 : vector<16xi32> to vector<16x1xi32>
          %gather3A_221 = vector.shape_cast %broadcast_in_dim3A_220 : vector<16x1xi32> to vector<16xi32>
          %gather3A_222 = tpu.dynamic_gather %add3A_206[%gather3A_221] in [0] : vector<16xi32>, vector<16xi32> -> vector<16xi32>
          %ge3A_223 = arith.constant 8 : i32
          %ge3A_224 = vector.broadcast %ge3A_223 : i32 to vector<16xi32>
          %ge3A_225 = arith.cmpi sge, %iota3A, %ge3A_224 : vector<16xi32>
          %jit3A_226 = arith.constant 0 : i32
          %broadcast_in_dim3A_227 = vector.broadcast %jit3A_226 : i32 to vector<16xi32>
          %select_n3A_228 = arith.select %ge3A_225, %gather3A_222, %broadcast_in_dim3A_227 : vector<16xi1>, vector<16xi32>
          %add3A_229 = arith.addi %add3A_206, %select_n3A_228 : vector<16xi32>
          %add3A_230 = vector.broadcast %scan3A_120 : i32 to vector<16xi32>
          %add3A_231 = arith.addi %add3A_230, %add3A_229 : vector<16xi32>
          %sub3A_232 = arith.constant 1 : i32
          %sub3A_233 = vector.broadcast %sub3A_232 : i32 to vector<16xi32>
          %sub3A_234 = arith.subi %add3A_231, %sub3A_233 : vector<16xi32>
          %add3A_235 = arith.constant 2048 : i32
          %add3A_236 = vector.broadcast %add3A_235 : i32 to vector<16xi32>
          %add3A_237 = arith.addi %add3A_236, %iota3A : vector<16xi32>
          %select_n3A_238 = arith.select %and3A_130, %sub3A_234, %add3A_237 : vector<16xi1>, vector<16xi32>
          tpu.vector_store_idx %arg10[%select_n3A_238], %get3A_134 : memref<2064xi32, #tpu.memory_space<vmem>>[vector<16xi32>], vector<16xi32>,
          tpu.vector_store_idx %arg9[%select_n3A_238], %sub3A_125 : memref<2064xi32, #tpu.memory_space<vmem>>[vector<16xi32>], vector<16xi32>,
          %slice3A = vector.extract_strided_slice %add3A_229 {offsets = [15], sizes = [1], strides = [1]} : vector<16xi32> to vector<1xi32>
          %squeeze3A = vector.extract %slice3A[0] : i32 from vector<1xi32>
          %add3A_239 = arith.addi %scan3A_120, %squeeze3A : i32
          scf.yield %add3A_239 : i32
        }
        %scan3A_51 = arith.constant 125 : i32
        %broadcast_in_dim3A_52 = arith.constant 0 : i32
        %broadcast_in_dim3A_53 = vector.broadcast %broadcast_in_dim3A_52 : i32 to vector<16xi32>
        %broadcast_in_dim3A_54 = arith.constant 160 : i32
        %broadcast_in_dim3A_55 = vector.broadcast %broadcast_in_dim3A_54 : i32 to vector<16xi32>
        %add3A_56 = arith.constant 0 : i32
        %add3A_57 = arith.addi %scan3A_50, %add3A_56 : i32
        %swap3A = arith.index_cast %add3A_57 : i32 to index
        %swap3A_58 = tpu.vector_load %arg10[%swap3A] {strides = array<i32>} : memref<2064xi32, #tpu.memory_space<vmem>>, vector<16xi32>,
        tpu.vector_store %arg10[%swap3A], %broadcast_in_dim3A_53 {strides = array<i32>} : memref<2064xi32, #tpu.memory_space<vmem>>, vector<16xi32>,
        %add3A_59 = arith.constant 0 : i32
        %add3A_60 = arith.addi %scan3A_50, %add3A_59 : i32
        %swap3A_61 = arith.index_cast %add3A_60 : i32 to index
        %swap3A_62 = tpu.vector_load %arg9[%swap3A_61] {strides = array<i32>} : memref<2064xi32, #tpu.memory_space<vmem>>, vector<16xi32>,
        tpu.vector_store %arg9[%swap3A_61], %broadcast_in_dim3A_55 {strides = array<i32>} : memref<2064xi32, #tpu.memory_space<vmem>>, vector<16xi32>,
        %add3A_63 = arith.constant 16 : i32
        %add3A_64 = arith.addi %scan3A_50, %add3A_63 : i32
        %swap3A_65 = arith.index_cast %add3A_64 : i32 to index
        %swap3A_66 = tpu.vector_load %arg10[%swap3A_65] {strides = array<i32>} : memref<2064xi32, #tpu.memory_space<vmem>>, vector<16xi32>,
        tpu.vector_store %arg10[%swap3A_65], %broadcast_in_dim3A_53 {strides = array<i32>} : memref<2064xi32, #tpu.memory_space<vmem>>, vector<16xi32>,
        %add3A_67 = arith.constant 16 : i32
        %add3A_68 = arith.addi %scan3A_50, %add3A_67 : i32
        %swap3A_69 = arith.index_cast %add3A_68 : i32 to index
        %swap3A_70 = tpu.vector_load %arg9[%swap3A_69] {strides = array<i32>} : memref<2064xi32, #tpu.memory_space<vmem>>, vector<16xi32>,
        tpu.vector_store %arg9[%swap3A_69], %broadcast_in_dim3A_55 {strides = array<i32>} : memref<2064xi32, #tpu.memory_space<vmem>>, vector<16xi32>,
        %add3A_71 = arith.constant 32 : i32
        %add3A_72 = arith.addi %scan3A_50, %add3A_71 : i32
        %swap3A_73 = arith.index_cast %add3A_72 : i32 to index
        %swap3A_74 = tpu.vector_load %arg10[%swap3A_73] {strides = array<i32>} : memref<2064xi32, #tpu.memory_space<vmem>>, vector<16xi32>,
        tpu.vector_store %arg10[%swap3A_73], %broadcast_in_dim3A_53 {strides = array<i32>} : memref<2064xi32, #tpu.memory_space<vmem>>, vector<16xi32>,
        %add3A_75 = arith.constant 32 : i32
        %add3A_76 = arith.addi %scan3A_50, %add3A_75 : i32
        %swap3A_77 = arith.index_cast %add3A_76 : i32 to index
        %swap3A_78 = tpu.vector_load %arg9[%swap3A_77] {strides = array<i32>} : memref<2064xi32, #tpu.memory_space<vmem>>, vector<16xi32>,
        tpu.vector_store %arg9[%swap3A_77], %broadcast_in_dim3A_55 {strides = array<i32>} : memref<2064xi32, #tpu.memory_space<vmem>>, vector<16xi32>,
        %add3A_79 = arith.constant 48 : i32
        %add3A_80 = arith.addi %scan3A_50, %add3A_79 : i32
        %swap3A_81 = arith.index_cast %add3A_80 : i32 to index
        %swap3A_82 = tpu.vector_load %arg10[%swap3A_81] {strides = array<i32>} : memref<2064xi32, #tpu.memory_space<vmem>>, vector<16xi32>,
        tpu.vector_store %arg10[%swap3A_81], %broadcast_in_dim3A_53 {strides = array<i32>} : memref<2064xi32, #tpu.memory_space<vmem>>, vector<16xi32>,
        %add3A_83 = arith.constant 48 : i32
        %add3A_84 = arith.addi %scan3A_50, %add3A_83 : i32
        %swap3A_85 = arith.index_cast %add3A_84 : i32 to index
        %swap3A_86 = tpu.vector_load %arg9[%swap3A_85] {strides = array<i32>} : memref<2064xi32, #tpu.memory_space<vmem>>, vector<16xi32>,
        tpu.vector_store %arg9[%swap3A_85], %broadcast_in_dim3A_55 {strides = array<i32>} : memref<2064xi32, #tpu.memory_space<vmem>>, vector<16xi32>,
        %add3A_87 = arith.constant 64 : i32
        %add3A_88 = arith.addi %scan3A_50, %add3A_87 : i32
        %sub3A = arith.constant 1 : i32
        %sub3A_89 = arith.subi %add3A_88, %sub3A : i32
        %jit3A = arith.constant 64 : i32
        %div3A = arith.divsi %sub3A_89, %jit3A : i32
        %sign3A = arith.constant 0 : i32
        %sign3A_90 = arith.cmpi sgt, %sub3A_89, %sign3A : i32
        %sign3A_91 = arith.extui %sign3A_90 : i1 to i32
        %sign3A_92 = arith.constant 0 : i32
        %sign3A_93 = arith.cmpi slt, %sub3A_89, %sign3A_92 : i32
        %sign3A_94 = arith.extui %sign3A_93 : i1 to i32
        %sign3A_95 = arith.subi %sign3A_91, %sign3A_94 : i32
        %sign3A_96 = arith.constant 0 : i32
        %sign3A_97 = arith.cmpi sgt, %jit3A, %sign3A_96 : i32
        %sign3A_98 = arith.extui %sign3A_97 : i1 to i32
        %sign3A_99 = arith.constant 0 : i32
        %sign3A_100 = arith.cmpi slt, %jit3A, %sign3A_99 : i32
        %sign3A_101 = arith.extui %sign3A_100 : i1 to i32
        %sign3A_102 = arith.subi %sign3A_98, %sign3A_101 : i32
        %ne3A = arith.cmpi ne, %sign3A_95, %sign3A_102 : i32
        %rem3A = arith.remsi %sub3A_89, %jit3A : i32
        %ne3A_103 = arith.constant 0 : i32
        %ne3A_104 = arith.cmpi ne, %rem3A, %ne3A_103 : i32
        %and3A = arith.andi %ne3A, %ne3A_104 : i1
        %sub3A_105 = arith.constant 1 : i32
        %sub3A_106 = arith.subi %div3A, %sub3A_105 : i32
        %select_n3A = arith.select %and3A, %sub3A_106, %div3A : i32
        %while3A = arith.constant 0 : i32
        %while3A_107 = arith.constant 0 : i32
        %while3A_108 = arith.subi %select_n3A, %while3A : i32
        %while3A_109 = arith.addi %while3A, %while3A_108 : i32
        %while3A_110 = arith.constant 1 : i32
        %while3A_111 = arith.divsi %while3A_108, %while3A_110 : i32
        %while3A_112 = arith.muli %while3A_111, %while3A_110 : i32
        %while3A_113 = arith.addi %while3A, %while3A_112 : i32
        %while3A_114 = arith.constant 1 : i32
        %while3A_115 = scf.for %while3A_119 = %while3A to %while3A_113 step %while3A_114 iter_args(%while3A_120 = %while3A_107) -> (i32)  : i32 {
          %mul3A_121 = arith.constant 64 : i32
          %mul3A_122 = arith.muli %while3A_119, %mul3A_121 : i32
          %dma_start3A = tpu.memref_slice %arg10[%mul3A_122] : memref<2064xi32, #tpu.memory_space<vmem>> -> memref<64xi32, #tpu.memory_space<vmem>>
          %dma_start3A_123 = arith.constant 0 : i32
          %dma_start3A_124 = arith.constant 0 : i32
          %dma_start3A_125 = tpu.memref_slice %arg4[%dma_start3A_123, %dma_start3A_124] : memref<10000x256xf32, #tpu.memory_space<hbm>> -> memref<10000x256xf32, #tpu.memory_space<hbm>>
          tpu.enqueue_indirect_dma source(%dma_start3A_125 : memref<10000x256xf32, #tpu.memory_space<hbm>>) target(%arg13 : memref<64x256xf32, #tpu.memory_space<vmem>>) offsets(%dma_start3A : memref<64xi32, #tpu.memory_space<vmem>>) semaphore(%arg14 : memref<!tpu.dma_semaphore, #tpu.memory_space<semaphore_mem>>)
          %dma_wait3A = tpu.memref_slice %arg10[%mul3A_122] : memref<2064xi32, #tpu.memory_space<vmem>> -> memref<64xi32, #tpu.memory_space<vmem>>
          %dma_wait3A_126 = arith.constant 0 : i32
          %dma_wait3A_127 = arith.constant 0 : i32
          %dma_wait3A_128 = tpu.memref_slice %arg4[%dma_wait3A_126, %dma_wait3A_127] : memref<10000x256xf32, #tpu.memory_space<hbm>> -> memref<10000x256xf32, #tpu.memory_space<hbm>>
          tpu.wait_indirect_dma semaphore(%arg14 : memref<!tpu.dma_semaphore, #tpu.memory_space<semaphore_mem>>) src(%dma_wait3A_128 : memref<10000x256xf32, #tpu.memory_space<hbm>>) dst(%arg13 : memref<64x256xf32, #tpu.memory_space<vmem>>)
          %scan3A_129 = arith.constant 0 : i32
          %scan3A_130 = arith.constant 0 : i32
          %scan3A_131 = arith.constant 64 : i32
          %scan3A_132 = arith.addi %scan3A_130, %scan3A_131 : i32
          %scan3A_133 = arith.constant 1 : i32
          %scan3A_134 = scf.for %scan3A_137 = %scan3A_130 to %scan3A_132 step %scan3A_133 iter_args(%scan3A_138 = %scan3A_129) -> (i32)  : i32 {
            %add3A_139 = arith.addi %mul3A_122, %scan3A_137 : i32
            %get3A = arith.index_cast %add3A_139 : i32 to index
            %get3A_140 = tpu.vector_load %arg9[%get3A] {strides = array<i32>} : memref<2064xi32, #tpu.memory_space<vmem>>, vector<16xi32>,
            %slice3A = vector.extract_strided_slice %get3A_140 {offsets = [0], sizes = [1], strides = [1]} : vector<16xi32> to vector<1xi32>
            %squeeze3A = vector.extract %slice3A[0] : i32 from vector<1xi32>
            %get3A_141 = arith.index_cast %scan3A_137 : i32 to index
            %get3A_142 = arith.constant 0 : index
            %get3A_143 = tpu.vector_load %arg13[%get3A_141, %get3A_142] {strides = array<i32>} : memref<64x256xf32, #tpu.memory_space<vmem>>, vector<16xf32>,
            %get3A_144 = arith.index_cast %squeeze3A : i32 to index
            %get3A_145 = arith.constant 0 : index
            %get3A_146 = tpu.vector_load %arg7[%get3A_144, %get3A_145] {strides = array<i32>} : memref<161x256xf32, #tpu.memory_space<vmem>>, vector<16xf32>,
            %max3A = arith.maximumf %get3A_146, %get3A_143 : vector<16xf32>
            %swap3A_147 = arith.index_cast %squeeze3A : i32 to index
            %swap3A_148 = arith.constant 0 : index
            %swap3A_149 = tpu.vector_load %arg7[%swap3A_147, %swap3A_148] {strides = array<i32>} : memref<161x256xf32, #tpu.memory_space<vmem>>, vector<16xf32>,
            tpu.vector_store %arg7[%swap3A_147, %swap3A_148], %max3A {strides = array<i32>} : memref<161x256xf32, #tpu.memory_space<vmem>>, vector<16xf32>,
            %get3A_150 = arith.index_cast %squeeze3A : i32 to index
            %get3A_151 = arith.constant 0 : index
            %get3A_152 = tpu.vector_load %arg8[%get3A_150, %get3A_151] {strides = array<i32>} : memref<161x256xf32, #tpu.memory_space<vmem>>, vector<16xf32>,
            %add3A_153 = arith.addf %get3A_152, %get3A_143 : vector<16xf32>
            %swap3A_154 = arith.index_cast %squeeze3A : i32 to index
            %swap3A_155 = arith.constant 0 : index
            %swap3A_156 = tpu.vector_load %arg8[%swap3A_154, %swap3A_155] {strides = array<i32>} : memref<161x256xf32, #tpu.memory_space<vmem>>, vector<16xf32>,
            tpu.vector_store %arg8[%swap3A_154, %swap3A_155], %add3A_153 {strides = array<i32>} : memref<161x256xf32, #tpu.memory_space<vmem>>, vector<16xf32>,
            %get3A_157 = arith.index_cast %scan3A_137 : i32 to index
            %get3A_158 = arith.constant 16 : index
            %get3A_159 = tpu.vector_load %arg13[%get3A_157, %get3A_158] {strides = array<i32>} : memref<64x256xf32, #tpu.memory_space<vmem>>, vector<16xf32>,
            %get3A_160 = arith.index_cast %squeeze3A : i32 to index
            %get3A_161 = arith.constant 16 : index
            %get3A_162 = tpu.vector_load %arg7[%get3A_160, %get3A_161] {strides = array<i32>} : memref<161x256xf32, #tpu.memory_space<vmem>>, vector<16xf32>,
            %max3A_163 = arith.maximumf %get3A_162, %get3A_159 : vector<16xf32>
            %swap3A_164 = arith.index_cast %squeeze3A : i32 to index
            %swap3A_165 = arith.constant 16 : index
            %swap3A_166 = tpu.vector_load %arg7[%swap3A_164, %swap3A_165] {strides = array<i32>} : memref<161x256xf32, #tpu.memory_space<vmem>>, vector<16xf32>,
            tpu.vector_store %arg7[%swap3A_164, %swap3A_165], %max3A_163 {strides = array<i32>} : memref<161x256xf32, #tpu.memory_space<vmem>>, vector<16xf32>,
            %get3A_167 = arith.index_cast %squeeze3A : i32 to index
            %get3A_168 = arith.constant 16 : index
            %get3A_169 = tpu.vector_load %arg8[%get3A_167, %get3A_168] {strides = array<i32>} : memref<161x256xf32, #tpu.memory_space<vmem>>, vector<16xf32>,
            %add3A_170 = arith.addf %get3A_169, %get3A_159 : vector<16xf32>
            %swap3A_171 = arith.index_cast %squeeze3A : i32 to index
            %swap3A_172 = arith.constant 16 : index
            %swap3A_173 = tpu.vector_load %arg8[%swap3A_171, %swap3A_172] {strides = array<i32>} : memref<161x256xf32, #tpu.memory_space<vmem>>, vector<16xf32>,
            tpu.vector_store %arg8[%swap3A_171, %swap3A_172], %add3A_170 {strides = array<i32>} : memref<161x256xf32, #tpu.memory_space<vmem>>, vector<16xf32>,
            %get3A_174 = arith.index_cast %scan3A_137 : i32 to index
            %get3A_175 = arith.constant 32 : index
            %get3A_176 = tpu.vector_load %arg13[%get3A_174, %get3A_175] {strides = array<i32>} : memref<64x256xf32, #tpu.memory_space<vmem>>, vector<16xf32>,
            %get3A_177 = arith.index_cast %squeeze3A : i32 to index
            %get3A_178 = arith.constant 32 : index
            %get3A_179 = tpu.vector_load %arg7[%get3A_177, %get3A_178] {strides = array<i32>} : memref<161x256xf32, #tpu.memory_space<vmem>>, vector<16xf32>,
            %max3A_180 = arith.maximumf %get3A_179, %get3A_176 : vector<16xf32>
            %swap3A_181 = arith.index_cast %squeeze3A : i32 to index
            %swap3A_182 = arith.constant 32 : index
            %swap3A_183 = tpu.vector_load %arg7[%swap3A_181, %swap3A_182] {strides = array<i32>} : memref<161x256xf32, #tpu.memory_space<vmem>>, vector<16xf32>,
            tpu.vector_store %arg7[%swap3A_181, %swap3A_182], %max3A_180 {strides = array<i32>} : memref<161x256xf32, #tpu.memory_space<vmem>>, vector<16xf32>,
            %get3A_184 = arith.index_cast %squeeze3A : i32 to index
            %get3A_185 = arith.constant 32 : index
            %get3A_186 = tpu.vector_load %arg8[%get3A_184, %get3A_185] {strides = array<i32>} : memref<161x256xf32, #tpu.memory_space<vmem>>, vector<16xf32>,
            %add3A_187 = arith.addf %get3A_186, %get3A_176 : vector<16xf32>
            %swap3A_188 = arith.index_cast %squeeze3A : i32 to index
            %swap3A_189 = arith.constant 32 : index
            %swap3A_190 = tpu.vector_load %arg8[%swap3A_188, %swap3A_189] {strides = array<i32>} : memref<161x256xf32, #tpu.memory_space<vmem>>, vector<16xf32>,
            tpu.vector_store %arg8[%swap3A_188, %swap3A_189], %add3A_187 {strides = array<i32>} : memref<161x256xf32, #tpu.memory_space<vmem>>, vector<16xf32>,
            %get3A_191 = arith.index_cast %scan3A_137 : i32 to index
            %get3A_192 = arith.constant 48 : index
            %get3A_193 = tpu.vector_load %arg13[%get3A_191, %get3A_192] {strides = array<i32>} : memref<64x256xf32, #tpu.memory_space<vmem>>, vector<16xf32>,
            %get3A_194 = arith.index_cast %squeeze3A : i32 to index
            %get3A_195 = arith.constant 48 : index
            %get3A_196 = tpu.vector_load %arg7[%get3A_194, %get3A_195] {strides = array<i32>} : memref<161x256xf32, #tpu.memory_space<vmem>>, vector<16xf32>,
            %max3A_197 = arith.maximumf %get3A_196, %get3A_193 : vector<16xf32>
            %swap3A_198 = arith.index_cast %squeeze3A : i32 to index
            %swap3A_199 = arith.constant 48 : index
            %swap3A_200 = tpu.vector_load %arg7[%swap3A_198, %swap3A_199] {strides = array<i32>} : memref<161x256xf32, #tpu.memory_space<vmem>>, vector<16xf32>,
            tpu.vector_store %arg7[%swap3A_198, %swap3A_199], %max3A_197 {strides = array<i32>} : memref<161x256xf32, #tpu.memory_space<vmem>>, vector<16xf32>,
            %get3A_201 = arith.index_cast %squeeze3A : i32 to index
            %get3A_202 = arith.constant 48 : index
            %get3A_203 = tpu.vector_load %arg8[%get3A_201, %get3A_202] {strides = array<i32>} : memref<161x256xf32, #tpu.memory_space<vmem>>, vector<16xf32>,
            %add3A_204 = arith.addf %get3A_203, %get3A_193 : vector<16xf32>
            %swap3A_205 = arith.index_cast %squeeze3A : i32 to index
            %swap3A_206 = arith.constant 48 : index
            %swap3A_207 = tpu.vector_load %arg8[%swap3A_205, %swap3A_206] {strides = array<i32>} : memref<161x256xf32, #tpu.memory_space<vmem>>, vector<16xf32>,
            tpu.vector_store %arg8[%swap3A_205, %swap3A_206], %add3A_204 {strides = array<i32>} : memref<161x256xf32, #tpu.memory_space<vmem>>, vector<16xf32>,
            %get3A_208 = arith.index_cast %scan3A_137 : i32 to index
            %get3A_209 = arith.constant 64 : index
            %get3A_210 = tpu.vector_load %arg13[%get3A_208, %get3A_209] {strides = array<i32>} : memref<64x256xf32, #tpu.memory_space<vmem>>, vector<16xf32>,
            %get3A_211 = arith.index_cast %squeeze3A : i32 to index
            %get3A_212 = arith.constant 64 : index
            %get3A_213 = tpu.vector_load %arg7[%get3A_211, %get3A_212] {strides = array<i32>} : memref<161x256xf32, #tpu.memory_space<vmem>>, vector<16xf32>,
            %max3A_214 = arith.maximumf %get3A_213, %get3A_210 : vector<16xf32>
            %swap3A_215 = arith.index_cast %squeeze3A : i32 to index
            %swap3A_216 = arith.constant 64 : index
            %swap3A_217 = tpu.vector_load %arg7[%swap3A_215, %swap3A_216] {strides = array<i32>} : memref<161x256xf32, #tpu.memory_space<vmem>>, vector<16xf32>,
            tpu.vector_store %arg7[%swap3A_215, %swap3A_216], %max3A_214 {strides = array<i32>} : memref<161x256xf32, #tpu.memory_space<vmem>>, vector<16xf32>,
            %get3A_218 = arith.index_cast %squeeze3A : i32 to index
            %get3A_219 = arith.constant 64 : index
            %get3A_220 = tpu.vector_load %arg8[%get3A_218, %get3A_219] {strides = array<i32>} : memref<161x256xf32, #tpu.memory_space<vmem>>, vector<16xf32>,
            %add3A_221 = arith.addf %get3A_220, %get3A_210 : vector<16xf32>
            %swap3A_222 = arith.index_cast %squeeze3A : i32 to index
            %swap3A_223 = arith.constant 64 : index
            %swap3A_224 = tpu.vector_load %arg8[%swap3A_222, %swap3A_223] {strides = array<i32>} : memref<161x256xf32, #tpu.memory_space<vmem>>, vector<16xf32>,
            tpu.vector_store %arg8[%swap3A_222, %swap3A_223], %add3A_221 {strides = array<i32>} : memref<161x256xf32, #tpu.memory_space<vmem>>, vector<16xf32>,
            %get3A_225 = arith.index_cast %scan3A_137 : i32 to index
            %get3A_226 = arith.constant 80 : index
            %get3A_227 = tpu.vector_load %arg13[%get3A_225, %get3A_226] {strides = array<i32>} : memref<64x256xf32, #tpu.memory_space<vmem>>, vector<16xf32>,
            %get3A_228 = arith.index_cast %squeeze3A : i32 to index
            %get3A_229 = arith.constant 80 : index
            %get3A_230 = tpu.vector_load %arg7[%get3A_228, %get3A_229] {strides = array<i32>} : memref<161x256xf32, #tpu.memory_space<vmem>>, vector<16xf32>,
            %max3A_231 = arith.maximumf %get3A_230, %get3A_227 : vector<16xf32>
            %swap3A_232 = arith.index_cast %squeeze3A : i32 to index
            %swap3A_233 = arith.constant 80 : index
            %swap3A_234 = tpu.vector_load %arg7[%swap3A_232, %swap3A_233] {strides = array<i32>} : memref<161x256xf32, #tpu.memory_space<vmem>>, vector<16xf32>,
            tpu.vector_store %arg7[%swap3A_232, %swap3A_233], %max3A_231 {strides = array<i32>} : memref<161x256xf32, #tpu.memory_space<vmem>>, vector<16xf32>,
            %get3A_235 = arith.index_cast %squeeze3A : i32 to index
            %get3A_236 = arith.constant 80 : index
            %get3A_237 = tpu.vector_load %arg8[%get3A_235, %get3A_236] {strides = array<i32>} : memref<161x256xf32, #tpu.memory_space<vmem>>, vector<16xf32>,
            %add3A_238 = arith.addf %get3A_237, %get3A_227 : vector<16xf32>
            %swap3A_239 = arith.index_cast %squeeze3A : i32 to index
            %swap3A_240 = arith.constant 80 : index
            %swap3A_241 = tpu.vector_load %arg8[%swap3A_239, %swap3A_240] {strides = array<i32>} : memref<161x256xf32, #tpu.memory_space<vmem>>, vector<16xf32>,
            tpu.vector_store %arg8[%swap3A_239, %swap3A_240], %add3A_238 {strides = array<i32>} : memref<161x256xf32, #tpu.memory_space<vmem>>, vector<16xf32>,
            %get3A_242 = arith.index_cast %scan3A_137 : i32 to index
            %get3A_243 = arith.constant 96 : index
            %get3A_244 = tpu.vector_load %arg13[%get3A_242, %get3A_243] {strides = array<i32>} : memref<64x256xf32, #tpu.memory_space<vmem>>, vector<16xf32>,
            %get3A_245 = arith.index_cast %squeeze3A : i32 to index
            %get3A_246 = arith.constant 96 : index
            %get3A_247 = tpu.vector_load %arg7[%get3A_245, %get3A_246] {strides = array<i32>} : memref<161x256xf32, #tpu.memory_space<vmem>>, vector<16xf32>,
            %max3A_248 = arith.maximumf %get3A_247, %get3A_244 : vector<16xf32>
            %swap3A_249 = arith.index_cast %squeeze3A : i32 to index
            %swap3A_250 = arith.constant 96 : index
            %swap3A_251 = tpu.vector_load %arg7[%swap3A_249, %swap3A_250] {strides = array<i32>} : memref<161x256xf32, #tpu.memory_space<vmem>>, vector<16xf32>,
            tpu.vector_store %arg7[%swap3A_249, %swap3A_250], %max3A_248 {strides = array<i32>} : memref<161x256xf32, #tpu.memory_space<vmem>>, vector<16xf32>,
            %get3A_252 = arith.index_cast %squeeze3A : i32 to index
            %get3A_253 = arith.constant 96 : index
            %get3A_254 = tpu.vector_load %arg8[%get3A_252, %get3A_253] {strides = array<i32>} : memref<161x256xf32, #tpu.memory_space<vmem>>, vector<16xf32>,
            %add3A_255 = arith.addf %get3A_254, %get3A_244 : vector<16xf32>
            %swap3A_256 = arith.index_cast %squeeze3A : i32 to index
            %swap3A_257 = arith.constant 96 : index
            %swap3A_258 = tpu.vector_load %arg8[%swap3A_256, %swap3A_257] {strides = array<i32>} : memref<161x256xf32, #tpu.memory_space<vmem>>, vector<16xf32>,
            tpu.vector_store %arg8[%swap3A_256, %swap3A_257], %add3A_255 {strides = array<i32>} : memref<161x256xf32, #tpu.memory_space<vmem>>, vector<16xf32>,
            %get3A_259 = arith.index_cast %scan3A_137 : i32 to index
            %get3A_260 = arith.constant 112 : index
            %get3A_261 = tpu.vector_load %arg13[%get3A_259, %get3A_260] {strides = array<i32>} : memref<64x256xf32, #tpu.memory_space<vmem>>, vector<16xf32>,
            %get3A_262 = arith.index_cast %squeeze3A : i32 to index
            %get3A_263 = arith.constant 112 : index
            %get3A_264 = tpu.vector_load %arg7[%get3A_262, %get3A_263] {strides = array<i32>} : memref<161x256xf32, #tpu.memory_space<vmem>>, vector<16xf32>,
            %max3A_265 = arith.maximumf %get3A_264, %get3A_261 : vector<16xf32>
            %swap3A_266 = arith.index_cast %squeeze3A : i32 to index
            %swap3A_267 = arith.constant 112 : index
            %swap3A_268 = tpu.vector_load %arg7[%swap3A_266, %swap3A_267] {strides = array<i32>} : memref<161x256xf32, #tpu.memory_space<vmem>>, vector<16xf32>,
            tpu.vector_store %arg7[%swap3A_266, %swap3A_267], %max3A_265 {strides = array<i32>} : memref<161x256xf32, #tpu.memory_space<vmem>>, vector<16xf32>,
            %get3A_269 = arith.index_cast %squeeze3A : i32 to index
            %get3A_270 = arith.constant 112 : index
            %get3A_271 = tpu.vector_load %arg8[%get3A_269, %get3A_270] {strides = array<i32>} : memref<161x256xf32, #tpu.memory_space<vmem>>, vector<16xf32>,
            %add3A_272 = arith.addf %get3A_271, %get3A_261 : vector<16xf32>
            %swap3A_273 = arith.index_cast %squeeze3A : i32 to index
            %swap3A_274 = arith.constant 112 : index
            %swap3A_275 = tpu.vector_load %arg8[%swap3A_273, %swap3A_274] {strides = array<i32>} : memref<161x256xf32, #tpu.memory_space<vmem>>, vector<16xf32>,
            tpu.vector_store %arg8[%swap3A_273, %swap3A_274], %add3A_272 {strides = array<i32>} : memref<161x256xf32, #tpu.memory_space<vmem>>, vector<16xf32>,
            %get3A_276 = arith.index_cast %scan3A_137 : i32 to index
            %get3A_277 = arith.constant 128 : index
            %get3A_278 = tpu.vector_load %arg13[%get3A_276, %get3A_277] {strides = array<i32>} : memref<64x256xf32, #tpu.memory_space<vmem>>, vector<16xf32>,
            %get3A_279 = arith.index_cast %squeeze3A : i32 to index
            %get3A_280 = arith.constant 128 : index
            %get3A_281 = tpu.vector_load %arg7[%get3A_279, %get3A_280] {strides = array<i32>} : memref<161x256xf32, #tpu.memory_space<vmem>>, vector<16xf32>,
            %max3A_282 = arith.maximumf %get3A_281, %get3A_278 : vector<16xf32>
            %swap3A_283 = arith.index_cast %squeeze3A : i32 to index
            %swap3A_284 = arith.constant 128 : index
            %swap3A_285 = tpu.vector_load %arg7[%swap3A_283, %swap3A_284] {strides = array<i32>} : memref<161x256xf32, #tpu.memory_space<vmem>>, vector<16xf32>,
            tpu.vector_store %arg7[%swap3A_283, %swap3A_284], %max3A_282 {strides = array<i32>} : memref<161x256xf32, #tpu.memory_space<vmem>>, vector<16xf32>,
            %get3A_286 = arith.index_cast %squeeze3A : i32 to index
            %get3A_287 = arith.constant 128 : index
            %get3A_288 = tpu.vector_load %arg8[%get3A_286, %get3A_287] {strides = array<i32>} : memref<161x256xf32, #tpu.memory_space<vmem>>, vector<16xf32>,
            %add3A_289 = arith.addf %get3A_288, %get3A_278 : vector<16xf32>
            %swap3A_290 = arith.index_cast %squeeze3A : i32 to index
            %swap3A_291 = arith.constant 128 : index
            %swap3A_292 = tpu.vector_load %arg8[%swap3A_290, %swap3A_291] {strides = array<i32>} : memref<161x256xf32, #tpu.memory_space<vmem>>, vector<16xf32>,
            tpu.vector_store %arg8[%swap3A_290, %swap3A_291], %add3A_289 {strides = array<i32>} : memref<161x256xf32, #tpu.memory_space<vmem>>, vector<16xf32>,
            %get3A_293 = arith.index_cast %scan3A_137 : i32 to index
            %get3A_294 = arith.constant 144 : index
            %get3A_295 = tpu.vector_load %arg13[%get3A_293, %get3A_294] {strides = array<i32>} : memref<64x256xf32, #tpu.memory_space<vmem>>, vector<16xf32>,
            %get3A_296 = arith.index_cast %squeeze3A : i32 to index
            %get3A_297 = arith.constant 144 : index
            %get3A_298 = tpu.vector_load %arg7[%get3A_296, %get3A_297] {strides = array<i32>} : memref<161x256xf32, #tpu.memory_space<vmem>>, vector<16xf32>,
            %max3A_299 = arith.maximumf %get3A_298, %get3A_295 : vector<16xf32>
            %swap3A_300 = arith.index_cast %squeeze3A : i32 to index
            %swap3A_301 = arith.constant 144 : index
            %swap3A_302 = tpu.vector_load %arg7[%swap3A_300, %swap3A_301] {strides = array<i32>} : memref<161x256xf32, #tpu.memory_space<vmem>>, vector<16xf32>,
            tpu.vector_store %arg7[%swap3A_300, %swap3A_301], %max3A_299 {strides = array<i32>} : memref<161x256xf32, #tpu.memory_space<vmem>>, vector<16xf32>,
            %get3A_303 = arith.index_cast %squeeze3A : i32 to index
            %get3A_304 = arith.constant 144 : index
            %get3A_305 = tpu.vector_load %arg8[%get3A_303, %get3A_304] {strides = array<i32>} : memref<161x256xf32, #tpu.memory_space<vmem>>, vector<16xf32>,
            %add3A_306 = arith.addf %get3A_305, %get3A_295 : vector<16xf32>
            %swap3A_307 = arith.index_cast %squeeze3A : i32 to index
            %swap3A_308 = arith.constant 144 : index
            %swap3A_309 = tpu.vector_load %arg8[%swap3A_307, %swap3A_308] {strides = array<i32>} : memref<161x256xf32, #tpu.memory_space<vmem>>, vector<16xf32>,
            tpu.vector_store %arg8[%swap3A_307, %swap3A_308], %add3A_306 {strides = array<i32>} : memref<161x256xf32, #tpu.memory_space<vmem>>, vector<16xf32>,
            %get3A_310 = arith.index_cast %scan3A_137 : i32 to index
            %get3A_311 = arith.constant 160 : index
            %get3A_312 = tpu.vector_load %arg13[%get3A_310, %get3A_311] {strides = array<i32>} : memref<64x256xf32, #tpu.memory_space<vmem>>, vector<16xf32>,
            %get3A_313 = arith.index_cast %squeeze3A : i32 to index
            %get3A_314 = arith.constant 160 : index
            %get3A_315 = tpu.vector_load %arg7[%get3A_313, %get3A_314] {strides = array<i32>} : memref<161x256xf32, #tpu.memory_space<vmem>>, vector<16xf32>,
            %max3A_316 = arith.maximumf %get3A_315, %get3A_312 : vector<16xf32>
            %swap3A_317 = arith.index_cast %squeeze3A : i32 to index
            %swap3A_318 = arith.constant 160 : index
            %swap3A_319 = tpu.vector_load %arg7[%swap3A_317, %swap3A_318] {strides = array<i32>} : memref<161x256xf32, #tpu.memory_space<vmem>>, vector<16xf32>,
            tpu.vector_store %arg7[%swap3A_317, %swap3A_318], %max3A_316 {strides = array<i32>} : memref<161x256xf32, #tpu.memory_space<vmem>>, vector<16xf32>,
            %get3A_320 = arith.index_cast %squeeze3A : i32 to index
            %get3A_321 = arith.constant 160 : index
            %get3A_322 = tpu.vector_load %arg8[%get3A_320, %get3A_321] {strides = array<i32>} : memref<161x256xf32, #tpu.memory_space<vmem>>, vector<16xf32>,
            %add3A_323 = arith.addf %get3A_322, %get3A_312 : vector<16xf32>
            %swap3A_324 = arith.index_cast %squeeze3A : i32 to index
            %swap3A_325 = arith.constant 160 : index
            %swap3A_326 = tpu.vector_load %arg8[%swap3A_324, %swap3A_325] {strides = array<i32>} : memref<161x256xf32, #tpu.memory_space<vmem>>, vector<16xf32>,
            tpu.vector_store %arg8[%swap3A_324, %swap3A_325], %add3A_323 {strides = array<i32>} : memref<161x256xf32, #tpu.memory_space<vmem>>, vector<16xf32>,
            %get3A_327 = arith.index_cast %scan3A_137 : i32 to index
            %get3A_328 = arith.constant 176 : index
            %get3A_329 = tpu.vector_load %arg13[%get3A_327, %get3A_328] {strides = array<i32>} : memref<64x256xf32, #tpu.memory_space<vmem>>, vector<16xf32>,
            %get3A_330 = arith.index_cast %squeeze3A : i32 to index
            %get3A_331 = arith.constant 176 : index
            %get3A_332 = tpu.vector_load %arg7[%get3A_330, %get3A_331] {strides = array<i32>} : memref<161x256xf32, #tpu.memory_space<vmem>>, vector<16xf32>,
            %max3A_333 = arith.maximumf %get3A_332, %get3A_329 : vector<16xf32>
            %swap3A_334 = arith.index_cast %squeeze3A : i32 to index
            %swap3A_335 = arith.constant 176 : index
            %swap3A_336 = tpu.vector_load %arg7[%swap3A_334, %swap3A_335] {strides = array<i32>} : memref<161x256xf32, #tpu.memory_space<vmem>>, vector<16xf32>,
            tpu.vector_store %arg7[%swap3A_334, %swap3A_335], %max3A_333 {strides = array<i32>} : memref<161x256xf32, #tpu.memory_space<vmem>>, vector<16xf32>,
            %get3A_337 = arith.index_cast %squeeze3A : i32 to index
            %get3A_338 = arith.constant 176 : index
            %get3A_339 = tpu.vector_load %arg8[%get3A_337, %get3A_338] {strides = array<i32>} : memref<161x256xf32, #tpu.memory_space<vmem>>, vector<16xf32>,
            %add3A_340 = arith.addf %get3A_339, %get3A_329 : vector<16xf32>
            %swap3A_341 = arith.index_cast %squeeze3A : i32 to index
            %swap3A_342 = arith.constant 176 : index
            %swap3A_343 = tpu.vector_load %arg8[%swap3A_341, %swap3A_342] {strides = array<i32>} : memref<161x256xf32, #tpu.memory_space<vmem>>, vector<16xf32>,
            tpu.vector_store %arg8[%swap3A_341, %swap3A_342], %add3A_340 {strides = array<i32>} : memref<161x256xf32, #tpu.memory_space<vmem>>, vector<16xf32>,
            %get3A_344 = arith.index_cast %scan3A_137 : i32 to index
            %get3A_345 = arith.constant 192 : index
            %get3A_346 = tpu.vector_load %arg13[%get3A_344, %get3A_345] {strides = array<i32>} : memref<64x256xf32, #tpu.memory_space<vmem>>, vector<16xf32>,
            %get3A_347 = arith.index_cast %squeeze3A : i32 to index
            %get3A_348 = arith.constant 192 : index
            %get3A_349 = tpu.vector_load %arg7[%get3A_347, %get3A_348] {strides = array<i32>} : memref<161x256xf32, #tpu.memory_space<vmem>>, vector<16xf32>,
            %max3A_350 = arith.maximumf %get3A_349, %get3A_346 : vector<16xf32>
            %swap3A_351 = arith.index_cast %squeeze3A : i32 to index
            %swap3A_352 = arith.constant 192 : index
            %swap3A_353 = tpu.vector_load %arg7[%swap3A_351, %swap3A_352] {strides = array<i32>} : memref<161x256xf32, #tpu.memory_space<vmem>>, vector<16xf32>,
            tpu.vector_store %arg7[%swap3A_351, %swap3A_352], %max3A_350 {strides = array<i32>} : memref<161x256xf32, #tpu.memory_space<vmem>>, vector<16xf32>,
            %get3A_354 = arith.index_cast %squeeze3A : i32 to index
            %get3A_355 = arith.constant 192 : index
            %get3A_356 = tpu.vector_load %arg8[%get3A_354, %get3A_355] {strides = array<i32>} : memref<161x256xf32, #tpu.memory_space<vmem>>, vector<16xf32>,
            %add3A_357 = arith.addf %get3A_356, %get3A_346 : vector<16xf32>
            %swap3A_358 = arith.index_cast %squeeze3A : i32 to index
            %swap3A_359 = arith.constant 192 : index
            %swap3A_360 = tpu.vector_load %arg8[%swap3A_358, %swap3A_359] {strides = array<i32>} : memref<161x256xf32, #tpu.memory_space<vmem>>, vector<16xf32>,
            tpu.vector_store %arg8[%swap3A_358, %swap3A_359], %add3A_357 {strides = array<i32>} : memref<161x256xf32, #tpu.memory_space<vmem>>, vector<16xf32>,
            %get3A_361 = arith.index_cast %scan3A_137 : i32 to index
            %get3A_362 = arith.constant 208 : index
            %get3A_363 = tpu.vector_load %arg13[%get3A_361, %get3A_362] {strides = array<i32>} : memref<64x256xf32, #tpu.memory_space<vmem>>, vector<16xf32>,
            %get3A_364 = arith.index_cast %squeeze3A : i32 to index
            %get3A_365 = arith.constant 208 : index
            %get3A_366 = tpu.vector_load %arg7[%get3A_364, %get3A_365] {strides = array<i32>} : memref<161x256xf32, #tpu.memory_space<vmem>>, vector<16xf32>,
            %max3A_367 = arith.maximumf %get3A_366, %get3A_363 : vector<16xf32>
            %swap3A_368 = arith.index_cast %squeeze3A : i32 to index
            %swap3A_369 = arith.constant 208 : index
            %swap3A_370 = tpu.vector_load %arg7[%swap3A_368, %swap3A_369] {strides = array<i32>} : memref<161x256xf32, #tpu.memory_space<vmem>>, vector<16xf32>,
            tpu.vector_store %arg7[%swap3A_368, %swap3A_369], %max3A_367 {strides = array<i32>} : memref<161x256xf32, #tpu.memory_space<vmem>>, vector<16xf32>,
            %get3A_371 = arith.index_cast %squeeze3A : i32 to index
            %get3A_372 = arith.constant 208 : index
            %get3A_373 = tpu.vector_load %arg8[%get3A_371, %get3A_372] {strides = array<i32>} : memref<161x256xf32, #tpu.memory_space<vmem>>, vector<16xf32>,
            %add3A_374 = arith.addf %get3A_373, %get3A_363 : vector<16xf32>
            %swap3A_375 = arith.index_cast %squeeze3A : i32 to index
            %swap3A_376 = arith.constant 208 : index
            %swap3A_377 = tpu.vector_load %arg8[%swap3A_375, %swap3A_376] {strides = array<i32>} : memref<161x256xf32, #tpu.memory_space<vmem>>, vector<16xf32>,
            tpu.vector_store %arg8[%swap3A_375, %swap3A_376], %add3A_374 {strides = array<i32>} : memref<161x256xf32, #tpu.memory_space<vmem>>, vector<16xf32>,
            %get3A_378 = arith.index_cast %scan3A_137 : i32 to index
            %get3A_379 = arith.constant 224 : index
            %get3A_380 = tpu.vector_load %arg13[%get3A_378, %get3A_379] {strides = array<i32>} : memref<64x256xf32, #tpu.memory_space<vmem>>, vector<16xf32>,
            %get3A_381 = arith.index_cast %squeeze3A : i32 to index
            %get3A_382 = arith.constant 224 : index
            %get3A_383 = tpu.vector_load %arg7[%get3A_381, %get3A_382] {strides = array<i32>} : memref<161x256xf32, #tpu.memory_space<vmem>>, vector<16xf32>,
            %max3A_384 = arith.maximumf %get3A_383, %get3A_380 : vector<16xf32>
            %swap3A_385 = arith.index_cast %squeeze3A : i32 to index
            %swap3A_386 = arith.constant 224 : index
            %swap3A_387 = tpu.vector_load %arg7[%swap3A_385, %swap3A_386] {strides = array<i32>} : memref<161x256xf32, #tpu.memory_space<vmem>>, vector<16xf32>,
            tpu.vector_store %arg7[%swap3A_385, %swap3A_386], %max3A_384 {strides = array<i32>} : memref<161x256xf32, #tpu.memory_space<vmem>>, vector<16xf32>,
            %get3A_388 = arith.index_cast %squeeze3A : i32 to index
            %get3A_389 = arith.constant 224 : index
            %get3A_390 = tpu.vector_load %arg8[%get3A_388, %get3A_389] {strides = array<i32>} : memref<161x256xf32, #tpu.memory_space<vmem>>, vector<16xf32>,
            %add3A_391 = arith.addf %get3A_390, %get3A_380 : vector<16xf32>
            %swap3A_392 = arith.index_cast %squeeze3A : i32 to index
            %swap3A_393 = arith.constant 224 : index
            %swap3A_394 = tpu.vector_load %arg8[%swap3A_392, %swap3A_393] {strides = array<i32>} : memref<161x256xf32, #tpu.memory_space<vmem>>, vector<16xf32>,
            tpu.vector_store %arg8[%swap3A_392, %swap3A_393], %add3A_391 {strides = array<i32>} : memref<161x256xf32, #tpu.memory_space<vmem>>, vector<16xf32>,
            %get3A_395 = arith.index_cast %scan3A_137 : i32 to index
            %get3A_396 = arith.constant 240 : index
            %get3A_397 = tpu.vector_load %arg13[%get3A_395, %get3A_396] {strides = array<i32>} : memref<64x256xf32, #tpu.memory_space<vmem>>, vector<16xf32>,
            %get3A_398 = arith.index_cast %squeeze3A : i32 to index
            %get3A_399 = arith.constant 240 : index
            %get3A_400 = tpu.vector_load %arg7[%get3A_398, %get3A_399] {strides = array<i32>} : memref<161x256xf32, #tpu.memory_space<vmem>>, vector<16xf32>,
            %max3A_401 = arith.maximumf %get3A_400, %get3A_397 : vector<16xf32>
            %swap3A_402 = arith.index_cast %squeeze3A : i32 to index
            %swap3A_403 = arith.constant 240 : index
            %swap3A_404 = tpu.vector_load %arg7[%swap3A_402, %swap3A_403] {strides = array<i32>} : memref<161x256xf32, #tpu.memory_space<vmem>>, vector<16xf32>,
            tpu.vector_store %arg7[%swap3A_402, %swap3A_403], %max3A_401 {strides = array<i32>} : memref<161x256xf32, #tpu.memory_space<vmem>>, vector<16xf32>,
            %get3A_405 = arith.index_cast %squeeze3A : i32 to index
            %get3A_406 = arith.constant 240 : index
            %get3A_407 = tpu.vector_load %arg8[%get3A_405, %get3A_406] {strides = array<i32>} : memref<161x256xf32, #tpu.memory_space<vmem>>, vector<16xf32>,
            %add3A_408 = arith.addf %get3A_407, %get3A_397 : vector<16xf32>
            %swap3A_409 = arith.index_cast %squeeze3A : i32 to index
            %swap3A_410 = arith.constant 240 : index
            %swap3A_411 = tpu.vector_load %arg8[%swap3A_409, %swap3A_410] {strides = array<i32>} : memref<161x256xf32, #tpu.memory_space<vmem>>, vector<16xf32>,
            tpu.vector_store %arg8[%swap3A_409, %swap3A_410], %add3A_408 {strides = array<i32>} : memref<161x256xf32, #tpu.memory_space<vmem>>, vector<16xf32>,
            %scan3A_412 = arith.constant 0 : i32
            scf.yield %scan3A_412 : i32
          }
          %scan3A_135 = arith.constant 64 : i32
          %while3A_136 = arith.constant 0 : i32
          scf.yield %while3A_136 : i32
        }
        %while3A_116 = arith.constant 1 : i32
        %while3A_117 = scf.for %while3A_119 = %while3A_113 to %while3A_109 step %while3A_116 iter_args(%while3A_120 = %while3A_115) -> (i32)  : i32 {
          %mul3A_121 = arith.constant 64 : i32
          %mul3A_122 = arith.muli %while3A_119, %mul3A_121 : i32
          %dma_start3A = tpu.memref_slice %arg10[%mul3A_122] : memref<2064xi32, #tpu.memory_space<vmem>> -> memref<64xi32, #tpu.memory_space<vmem>>
          %dma_start3A_123 = arith.constant 0 : i32
          %dma_start3A_124 = arith.constant 0 : i32
          %dma_start3A_125 = tpu.memref_slice %arg4[%dma_start3A_123, %dma_start3A_124] : memref<10000x256xf32, #tpu.memory_space<hbm>> -> memref<10000x256xf32, #tpu.memory_space<hbm>>
          tpu.enqueue_indirect_dma source(%dma_start3A_125 : memref<10000x256xf32, #tpu.memory_space<hbm>>) target(%arg13 : memref<64x256xf32, #tpu.memory_space<vmem>>) offsets(%dma_start3A : memref<64xi32, #tpu.memory_space<vmem>>) semaphore(%arg14 : memref<!tpu.dma_semaphore, #tpu.memory_space<semaphore_mem>>)
          %dma_wait3A = tpu.memref_slice %arg10[%mul3A_122] : memref<2064xi32, #tpu.memory_space<vmem>> -> memref<64xi32, #tpu.memory_space<vmem>>
          %dma_wait3A_126 = arith.constant 0 : i32
          %dma_wait3A_127 = arith.constant 0 : i32
          %dma_wait3A_128 = tpu.memref_slice %arg4[%dma_wait3A_126, %dma_wait3A_127] : memref<10000x256xf32, #tpu.memory_space<hbm>> -> memref<10000x256xf32, #tpu.memory_space<hbm>>
          tpu.wait_indirect_dma semaphore(%arg14 : memref<!tpu.dma_semaphore, #tpu.memory_space<semaphore_mem>>) src(%dma_wait3A_128 : memref<10000x256xf32, #tpu.memory_space<hbm>>) dst(%arg13 : memref<64x256xf32, #tpu.memory_space<vmem>>)
          %scan3A_129 = arith.constant 0 : i32
          %scan3A_130 = arith.constant 0 : i32
          %scan3A_131 = arith.constant 64 : i32
          %scan3A_132 = arith.addi %scan3A_130, %scan3A_131 : i32
          %scan3A_133 = arith.constant 1 : i32
          %scan3A_134 = scf.for %scan3A_137 = %scan3A_130 to %scan3A_132 step %scan3A_133 iter_args(%scan3A_138 = %scan3A_129) -> (i32)  : i32 {
            %add3A_139 = arith.addi %mul3A_122, %scan3A_137 : i32
            %get3A = arith.index_cast %add3A_139 : i32 to index
            %get3A_140 = tpu.vector_load %arg9[%get3A] {strides = array<i32>} : memref<2064xi32, #tpu.memory_space<vmem>>, vector<16xi32>,
            %slice3A = vector.extract_strided_slice %get3A_140 {offsets = [0], sizes = [1], strides = [1]} : vector<16xi32> to vector<1xi32>
            %squeeze3A = vector.extract %slice3A[0] : i32 from vector<1xi32>
            %get3A_141 = arith.index_cast %scan3A_137 : i32 to index
            %get3A_142 = arith.constant 0 : index
            %get3A_143 = tpu.vector_load %arg13[%get3A_141, %get3A_142] {strides = array<i32>} : memref<64x256xf32, #tpu.memory_space<vmem>>, vector<16xf32>,
            %get3A_144 = arith.index_cast %squeeze3A : i32 to index
            %get3A_145 = arith.constant 0 : index
            %get3A_146 = tpu.vector_load %arg7[%get3A_144, %get3A_145] {strides = array<i32>} : memref<161x256xf32, #tpu.memory_space<vmem>>, vector<16xf32>,
            %max3A = arith.maximumf %get3A_146, %get3A_143 : vector<16xf32>
            %swap3A_147 = arith.index_cast %squeeze3A : i32 to index
            %swap3A_148 = arith.constant 0 : index
            %swap3A_149 = tpu.vector_load %arg7[%swap3A_147, %swap3A_148] {strides = array<i32>} : memref<161x256xf32, #tpu.memory_space<vmem>>, vector<16xf32>,
            tpu.vector_store %arg7[%swap3A_147, %swap3A_148], %max3A {strides = array<i32>} : memref<161x256xf32, #tpu.memory_space<vmem>>, vector<16xf32>,
            %get3A_150 = arith.index_cast %squeeze3A : i32 to index
            %get3A_151 = arith.constant 0 : index
            %get3A_152 = tpu.vector_load %arg8[%get3A_150, %get3A_151] {strides = array<i32>} : memref<161x256xf32, #tpu.memory_space<vmem>>, vector<16xf32>,
            %add3A_153 = arith.addf %get3A_152, %get3A_143 : vector<16xf32>
            %swap3A_154 = arith.index_cast %squeeze3A : i32 to index
            %swap3A_155 = arith.constant 0 : index
            %swap3A_156 = tpu.vector_load %arg8[%swap3A_154, %swap3A_155] {strides = array<i32>} : memref<161x256xf32, #tpu.memory_space<vmem>>, vector<16xf32>,
            tpu.vector_store %arg8[%swap3A_154, %swap3A_155], %add3A_153 {strides = array<i32>} : memref<161x256xf32, #tpu.memory_space<vmem>>, vector<16xf32>,
            %get3A_157 = arith.index_cast %scan3A_137 : i32 to index
            %get3A_158 = arith.constant 16 : index
            %get3A_159 = tpu.vector_load %arg13[%get3A_157, %get3A_158] {strides = array<i32>} : memref<64x256xf32, #tpu.memory_space<vmem>>, vector<16xf32>,
            %get3A_160 = arith.index_cast %squeeze3A : i32 to index
            %get3A_161 = arith.constant 16 : index
            %get3A_162 = tpu.vector_load %arg7[%get3A_160, %get3A_161] {strides = array<i32>} : memref<161x256xf32, #tpu.memory_space<vmem>>, vector<16xf32>,
            %max3A_163 = arith.maximumf %get3A_162, %get3A_159 : vector<16xf32>
            %swap3A_164 = arith.index_cast %squeeze3A : i32 to index
            %swap3A_165 = arith.constant 16 : index
            %swap3A_166 = tpu.vector_load %arg7[%swap3A_164, %swap3A_165] {strides = array<i32>} : memref<161x256xf32, #tpu.memory_space<vmem>>, vector<16xf32>,
            tpu.vector_store %arg7[%swap3A_164, %swap3A_165], %max3A_163 {strides = array<i32>} : memref<161x256xf32, #tpu.memory_space<vmem>>, vector<16xf32>,
            %get3A_167 = arith.index_cast %squeeze3A : i32 to index
            %get3A_168 = arith.constant 16 : index
            %get3A_169 = tpu.vector_load %arg8[%get3A_167, %get3A_168] {strides = array<i32>} : memref<161x256xf32, #tpu.memory_space<vmem>>, vector<16xf32>,
            %add3A_170 = arith.addf %get3A_169, %get3A_159 : vector<16xf32>
            %swap3A_171 = arith.index_cast %squeeze3A : i32 to index
            %swap3A_172 = arith.constant 16 : index
            %swap3A_173 = tpu.vector_load %arg8[%swap3A_171, %swap3A_172] {strides = array<i32>} : memref<161x256xf32, #tpu.memory_space<vmem>>, vector<16xf32>,
            tpu.vector_store %arg8[%swap3A_171, %swap3A_172], %add3A_170 {strides = array<i32>} : memref<161x256xf32, #tpu.memory_space<vmem>>, vector<16xf32>,
            %get3A_174 = arith.index_cast %scan3A_137 : i32 to index
            %get3A_175 = arith.constant 32 : index
            %get3A_176 = tpu.vector_load %arg13[%get3A_174, %get3A_175] {strides = array<i32>} : memref<64x256xf32, #tpu.memory_space<vmem>>, vector<16xf32>,
            %get3A_177 = arith.index_cast %squeeze3A : i32 to index
            %get3A_178 = arith.constant 32 : index
            %get3A_179 = tpu.vector_load %arg7[%get3A_177, %get3A_178] {strides = array<i32>} : memref<161x256xf32, #tpu.memory_space<vmem>>, vector<16xf32>,
            %max3A_180 = arith.maximumf %get3A_179, %get3A_176 : vector<16xf32>
            %swap3A_181 = arith.index_cast %squeeze3A : i32 to index
            %swap3A_182 = arith.constant 32 : index
            %swap3A_183 = tpu.vector_load %arg7[%swap3A_181, %swap3A_182] {strides = array<i32>} : memref<161x256xf32, #tpu.memory_space<vmem>>, vector<16xf32>,
            tpu.vector_store %arg7[%swap3A_181, %swap3A_182], %max3A_180 {strides = array<i32>} : memref<161x256xf32, #tpu.memory_space<vmem>>, vector<16xf32>,
            %get3A_184 = arith.index_cast %squeeze3A : i32 to index
            %get3A_185 = arith.constant 32 : index
            %get3A_186 = tpu.vector_load %arg8[%get3A_184, %get3A_185] {strides = array<i32>} : memref<161x256xf32, #tpu.memory_space<vmem>>, vector<16xf32>,
            %add3A_187 = arith.addf %get3A_186, %get3A_176 : vector<16xf32>
            %swap3A_188 = arith.index_cast %squeeze3A : i32 to index
            %swap3A_189 = arith.constant 32 : index
            %swap3A_190 = tpu.vector_load %arg8[%swap3A_188, %swap3A_189] {strides = array<i32>} : memref<161x256xf32, #tpu.memory_space<vmem>>, vector<16xf32>,
            tpu.vector_store %arg8[%swap3A_188, %swap3A_189], %add3A_187 {strides = array<i32>} : memref<161x256xf32, #tpu.memory_space<vmem>>, vector<16xf32>,
            %get3A_191 = arith.index_cast %scan3A_137 : i32 to index
            %get3A_192 = arith.constant 48 : index
            %get3A_193 = tpu.vector_load %arg13[%get3A_191, %get3A_192] {strides = array<i32>} : memref<64x256xf32, #tpu.memory_space<vmem>>, vector<16xf32>,
            %get3A_194 = arith.index_cast %squeeze3A : i32 to index
            %get3A_195 = arith.constant 48 : index
            %get3A_196 = tpu.vector_load %arg7[%get3A_194, %get3A_195] {strides = array<i32>} : memref<161x256xf32, #tpu.memory_space<vmem>>, vector<16xf32>,
            %max3A_197 = arith.maximumf %get3A_196, %get3A_193 : vector<16xf32>
            %swap3A_198 = arith.index_cast %squeeze3A : i32 to index
            %swap3A_199 = arith.constant 48 : index
            %swap3A_200 = tpu.vector_load %arg7[%swap3A_198, %swap3A_199] {strides = array<i32>} : memref<161x256xf32, #tpu.memory_space<vmem>>, vector<16xf32>,
            tpu.vector_store %arg7[%swap3A_198, %swap3A_199], %max3A_197 {strides = array<i32>} : memref<161x256xf32, #tpu.memory_space<vmem>>, vector<16xf32>,
            %get3A_201 = arith.index_cast %squeeze3A : i32 to index
            %get3A_202 = arith.constant 48 : index
            %get3A_203 = tpu.vector_load %arg8[%get3A_201, %get3A_202] {strides = array<i32>} : memref<161x256xf32, #tpu.memory_space<vmem>>, vector<16xf32>,
            %add3A_204 = arith.addf %get3A_203, %get3A_193 : vector<16xf32>
            %swap3A_205 = arith.index_cast %squeeze3A : i32 to index
            %swap3A_206 = arith.constant 48 : index
            %swap3A_207 = tpu.vector_load %arg8[%swap3A_205, %swap3A_206] {strides = array<i32>} : memref<161x256xf32, #tpu.memory_space<vmem>>, vector<16xf32>,
            tpu.vector_store %arg8[%swap3A_205, %swap3A_206], %add3A_204 {strides = array<i32>} : memref<161x256xf32, #tpu.memory_space<vmem>>, vector<16xf32>,
            %get3A_208 = arith.index_cast %scan3A_137 : i32 to index
            %get3A_209 = arith.constant 64 : index
            %get3A_210 = tpu.vector_load %arg13[%get3A_208, %get3A_209] {strides = array<i32>} : memref<64x256xf32, #tpu.memory_space<vmem>>, vector<16xf32>,
            %get3A_211 = arith.index_cast %squeeze3A : i32 to index
            %get3A_212 = arith.constant 64 : index
            %get3A_213 = tpu.vector_load %arg7[%get3A_211, %get3A_212] {strides = array<i32>} : memref<161x256xf32, #tpu.memory_space<vmem>>, vector<16xf32>,
            %max3A_214 = arith.maximumf %get3A_213, %get3A_210 : vector<16xf32>
            %swap3A_215 = arith.index_cast %squeeze3A : i32 to index
            %swap3A_216 = arith.constant 64 : index
            %swap3A_217 = tpu.vector_load %arg7[%swap3A_215, %swap3A_216] {strides = array<i32>} : memref<161x256xf32, #tpu.memory_space<vmem>>, vector<16xf32>,
            tpu.vector_store %arg7[%swap3A_215, %swap3A_216], %max3A_214 {strides = array<i32>} : memref<161x256xf32, #tpu.memory_space<vmem>>, vector<16xf32>,
            %get3A_218 = arith.index_cast %squeeze3A : i32 to index
            %get3A_219 = arith.constant 64 : index
            %get3A_220 = tpu.vector_load %arg8[%get3A_218, %get3A_219] {strides = array<i32>} : memref<161x256xf32, #tpu.memory_space<vmem>>, vector<16xf32>,
            %add3A_221 = arith.addf %get3A_220, %get3A_210 : vector<16xf32>
            %swap3A_222 = arith.index_cast %squeeze3A : i32 to index
            %swap3A_223 = arith.constant 64 : index
            %swap3A_224 = tpu.vector_load %arg8[%swap3A_222, %swap3A_223] {strides = array<i32>} : memref<161x256xf32, #tpu.memory_space<vmem>>, vector<16xf32>,
            tpu.vector_store %arg8[%swap3A_222, %swap3A_223], %add3A_221 {strides = array<i32>} : memref<161x256xf32, #tpu.memory_space<vmem>>, vector<16xf32>,
            %get3A_225 = arith.index_cast %scan3A_137 : i32 to index
            %get3A_226 = arith.constant 80 : index
            %get3A_227 = tpu.vector_load %arg13[%get3A_225, %get3A_226] {strides = array<i32>} : memref<64x256xf32, #tpu.memory_space<vmem>>, vector<16xf32>,
            %get3A_228 = arith.index_cast %squeeze3A : i32 to index
            %get3A_229 = arith.constant 80 : index
            %get3A_230 = tpu.vector_load %arg7[%get3A_228, %get3A_229] {strides = array<i32>} : memref<161x256xf32, #tpu.memory_space<vmem>>, vector<16xf32>,
            %max3A_231 = arith.maximumf %get3A_230, %get3A_227 : vector<16xf32>
            %swap3A_232 = arith.index_cast %squeeze3A : i32 to index
            %swap3A_233 = arith.constant 80 : index
            %swap3A_234 = tpu.vector_load %arg7[%swap3A_232, %swap3A_233] {strides = array<i32>} : memref<161x256xf32, #tpu.memory_space<vmem>>, vector<16xf32>,
            tpu.vector_store %arg7[%swap3A_232, %swap3A_233], %max3A_231 {strides = array<i32>} : memref<161x256xf32, #tpu.memory_space<vmem>>, vector<16xf32>,
            %get3A_235 = arith.index_cast %squeeze3A : i32 to index
            %get3A_236 = arith.constant 80 : index
            %get3A_237 = tpu.vector_load %arg8[%get3A_235, %get3A_236] {strides = array<i32>} : memref<161x256xf32, #tpu.memory_space<vmem>>, vector<16xf32>,
            %add3A_238 = arith.addf %get3A_237, %get3A_227 : vector<16xf32>
            %swap3A_239 = arith.index_cast %squeeze3A : i32 to index
            %swap3A_240 = arith.constant 80 : index
            %swap3A_241 = tpu.vector_load %arg8[%swap3A_239, %swap3A_240] {strides = array<i32>} : memref<161x256xf32, #tpu.memory_space<vmem>>, vector<16xf32>,
            tpu.vector_store %arg8[%swap3A_239, %swap3A_240], %add3A_238 {strides = array<i32>} : memref<161x256xf32, #tpu.memory_space<vmem>>, vector<16xf32>,
            %get3A_242 = arith.index_cast %scan3A_137 : i32 to index
            %get3A_243 = arith.constant 96 : index
            %get3A_244 = tpu.vector_load %arg13[%get3A_242, %get3A_243] {strides = array<i32>} : memref<64x256xf32, #tpu.memory_space<vmem>>, vector<16xf32>,
            %get3A_245 = arith.index_cast %squeeze3A : i32 to index
            %get3A_246 = arith.constant 96 : index
            %get3A_247 = tpu.vector_load %arg7[%get3A_245, %get3A_246] {strides = array<i32>} : memref<161x256xf32, #tpu.memory_space<vmem>>, vector<16xf32>,
            %max3A_248 = arith.maximumf %get3A_247, %get3A_244 : vector<16xf32>
            %swap3A_249 = arith.index_cast %squeeze3A : i32 to index
            %swap3A_250 = arith.constant 96 : index
            %swap3A_251 = tpu.vector_load %arg7[%swap3A_249, %swap3A_250] {strides = array<i32>} : memref<161x256xf32, #tpu.memory_space<vmem>>, vector<16xf32>,
            tpu.vector_store %arg7[%swap3A_249, %swap3A_250], %max3A_248 {strides = array<i32>} : memref<161x256xf32, #tpu.memory_space<vmem>>, vector<16xf32>,
            %get3A_252 = arith.index_cast %squeeze3A : i32 to index
            %get3A_253 = arith.constant 96 : index
            %get3A_254 = tpu.vector_load %arg8[%get3A_252, %get3A_253] {strides = array<i32>} : memref<161x256xf32, #tpu.memory_space<vmem>>, vector<16xf32>,
            %add3A_255 = arith.addf %get3A_254, %get3A_244 : vector<16xf32>
            %swap3A_256 = arith.index_cast %squeeze3A : i32 to index
            %swap3A_257 = arith.constant 96 : index
            %swap3A_258 = tpu.vector_load %arg8[%swap3A_256, %swap3A_257] {strides = array<i32>} : memref<161x256xf32, #tpu.memory_space<vmem>>, vector<16xf32>,
            tpu.vector_store %arg8[%swap3A_256, %swap3A_257], %add3A_255 {strides = array<i32>} : memref<161x256xf32, #tpu.memory_space<vmem>>, vector<16xf32>,
            %get3A_259 = arith.index_cast %scan3A_137 : i32 to index
            %get3A_260 = arith.constant 112 : index
            %get3A_261 = tpu.vector_load %arg13[%get3A_259, %get3A_260] {strides = array<i32>} : memref<64x256xf32, #tpu.memory_space<vmem>>, vector<16xf32>,
            %get3A_262 = arith.index_cast %squeeze3A : i32 to index
            %get3A_263 = arith.constant 112 : index
            %get3A_264 = tpu.vector_load %arg7[%get3A_262, %get3A_263] {strides = array<i32>} : memref<161x256xf32, #tpu.memory_space<vmem>>, vector<16xf32>,
            %max3A_265 = arith.maximumf %get3A_264, %get3A_261 : vector<16xf32>
            %swap3A_266 = arith.index_cast %squeeze3A : i32 to index
            %swap3A_267 = arith.constant 112 : index
            %swap3A_268 = tpu.vector_load %arg7[%swap3A_266, %swap3A_267] {strides = array<i32>} : memref<161x256xf32, #tpu.memory_space<vmem>>, vector<16xf32>,
            tpu.vector_store %arg7[%swap3A_266, %swap3A_267], %max3A_265 {strides = array<i32>} : memref<161x256xf32, #tpu.memory_space<vmem>>, vector<16xf32>,
            %get3A_269 = arith.index_cast %squeeze3A : i32 to index
            %get3A_270 = arith.constant 112 : index
            %get3A_271 = tpu.vector_load %arg8[%get3A_269, %get3A_270] {strides = array<i32>} : memref<161x256xf32, #tpu.memory_space<vmem>>, vector<16xf32>,
            %add3A_272 = arith.addf %get3A_271, %get3A_261 : vector<16xf32>
            %swap3A_273 = arith.index_cast %squeeze3A : i32 to index
            %swap3A_274 = arith.constant 112 : index
            %swap3A_275 = tpu.vector_load %arg8[%swap3A_273, %swap3A_274] {strides = array<i32>} : memref<161x256xf32, #tpu.memory_space<vmem>>, vector<16xf32>,
            tpu.vector_store %arg8[%swap3A_273, %swap3A_274], %add3A_272 {strides = array<i32>} : memref<161x256xf32, #tpu.memory_space<vmem>>, vector<16xf32>,
            %get3A_276 = arith.index_cast %scan3A_137 : i32 to index
            %get3A_277 = arith.constant 128 : index
            %get3A_278 = tpu.vector_load %arg13[%get3A_276, %get3A_277] {strides = array<i32>} : memref<64x256xf32, #tpu.memory_space<vmem>>, vector<16xf32>,
            %get3A_279 = arith.index_cast %squeeze3A : i32 to index
            %get3A_280 = arith.constant 128 : index
            %get3A_281 = tpu.vector_load %arg7[%get3A_279, %get3A_280] {strides = array<i32>} : memref<161x256xf32, #tpu.memory_space<vmem>>, vector<16xf32>,
            %max3A_282 = arith.maximumf %get3A_281, %get3A_278 : vector<16xf32>
            %swap3A_283 = arith.index_cast %squeeze3A : i32 to index
            %swap3A_284 = arith.constant 128 : index
            %swap3A_285 = tpu.vector_load %arg7[%swap3A_283, %swap3A_284] {strides = array<i32>} : memref<161x256xf32, #tpu.memory_space<vmem>>, vector<16xf32>,
            tpu.vector_store %arg7[%swap3A_283, %swap3A_284], %max3A_282 {strides = array<i32>} : memref<161x256xf32, #tpu.memory_space<vmem>>, vector<16xf32>,
            %get3A_286 = arith.index_cast %squeeze3A : i32 to index
            %get3A_287 = arith.constant 128 : index
            %get3A_288 = tpu.vector_load %arg8[%get3A_286, %get3A_287] {strides = array<i32>} : memref<161x256xf32, #tpu.memory_space<vmem>>, vector<16xf32>,
            %add3A_289 = arith.addf %get3A_288, %get3A_278 : vector<16xf32>
            %swap3A_290 = arith.index_cast %squeeze3A : i32 to index
            %swap3A_291 = arith.constant 128 : index
            %swap3A_292 = tpu.vector_load %arg8[%swap3A_290, %swap3A_291] {strides = array<i32>} : memref<161x256xf32, #tpu.memory_space<vmem>>, vector<16xf32>,
            tpu.vector_store %arg8[%swap3A_290, %swap3A_291], %add3A_289 {strides = array<i32>} : memref<161x256xf32, #tpu.memory_space<vmem>>, vector<16xf32>,
            %get3A_293 = arith.index_cast %scan3A_137 : i32 to index
            %get3A_294 = arith.constant 144 : index
            %get3A_295 = tpu.vector_load %arg13[%get3A_293, %get3A_294] {strides = array<i32>} : memref<64x256xf32, #tpu.memory_space<vmem>>, vector<16xf32>,
            %get3A_296 = arith.index_cast %squeeze3A : i32 to index
            %get3A_297 = arith.constant 144 : index
            %get3A_298 = tpu.vector_load %arg7[%get3A_296, %get3A_297] {strides = array<i32>} : memref<161x256xf32, #tpu.memory_space<vmem>>, vector<16xf32>,
            %max3A_299 = arith.maximumf %get3A_298, %get3A_295 : vector<16xf32>
            %swap3A_300 = arith.index_cast %squeeze3A : i32 to index
            %swap3A_301 = arith.constant 144 : index
            %swap3A_302 = tpu.vector_load %arg7[%swap3A_300, %swap3A_301] {strides = array<i32>} : memref<161x256xf32, #tpu.memory_space<vmem>>, vector<16xf32>,
            tpu.vector_store %arg7[%swap3A_300, %swap3A_301], %max3A_299 {strides = array<i32>} : memref<161x256xf32, #tpu.memory_space<vmem>>, vector<16xf32>,
            %get3A_303 = arith.index_cast %squeeze3A : i32 to index
            %get3A_304 = arith.constant 144 : index
            %get3A_305 = tpu.vector_load %arg8[%get3A_303, %get3A_304] {strides = array<i32>} : memref<161x256xf32, #tpu.memory_space<vmem>>, vector<16xf32>,
            %add3A_306 = arith.addf %get3A_305, %get3A_295 : vector<16xf32>
            %swap3A_307 = arith.index_cast %squeeze3A : i32 to index
            %swap3A_308 = arith.constant 144 : index
            %swap3A_309 = tpu.vector_load %arg8[%swap3A_307, %swap3A_308] {strides = array<i32>} : memref<161x256xf32, #tpu.memory_space<vmem>>, vector<16xf32>,
            tpu.vector_store %arg8[%swap3A_307, %swap3A_308], %add3A_306 {strides = array<i32>} : memref<161x256xf32, #tpu.memory_space<vmem>>, vector<16xf32>,
            %get3A_310 = arith.index_cast %scan3A_137 : i32 to index
            %get3A_311 = arith.constant 160 : index
            %get3A_312 = tpu.vector_load %arg13[%get3A_310, %get3A_311] {strides = array<i32>} : memref<64x256xf32, #tpu.memory_space<vmem>>, vector<16xf32>,
            %get3A_313 = arith.index_cast %squeeze3A : i32 to index
            %get3A_314 = arith.constant 160 : index
            %get3A_315 = tpu.vector_load %arg7[%get3A_313, %get3A_314] {strides = array<i32>} : memref<161x256xf32, #tpu.memory_space<vmem>>, vector<16xf32>,
            %max3A_316 = arith.maximumf %get3A_315, %get3A_312 : vector<16xf32>
            %swap3A_317 = arith.index_cast %squeeze3A : i32 to index
            %swap3A_318 = arith.constant 160 : index
            %swap3A_319 = tpu.vector_load %arg7[%swap3A_317, %swap3A_318] {strides = array<i32>} : memref<161x256xf32, #tpu.memory_space<vmem>>, vector<16xf32>,
            tpu.vector_store %arg7[%swap3A_317, %swap3A_318], %max3A_316 {strides = array<i32>} : memref<161x256xf32, #tpu.memory_space<vmem>>, vector<16xf32>,
            %get3A_320 = arith.index_cast %squeeze3A : i32 to index
            %get3A_321 = arith.constant 160 : index
            %get3A_322 = tpu.vector_load %arg8[%get3A_320, %get3A_321] {strides = array<i32>} : memref<161x256xf32, #tpu.memory_space<vmem>>, vector<16xf32>,
            %add3A_323 = arith.addf %get3A_322, %get3A_312 : vector<16xf32>
            %swap3A_324 = arith.index_cast %squeeze3A : i32 to index
            %swap3A_325 = arith.constant 160 : index
            %swap3A_326 = tpu.vector_load %arg8[%swap3A_324, %swap3A_325] {strides = array<i32>} : memref<161x256xf32, #tpu.memory_space<vmem>>, vector<16xf32>,
            tpu.vector_store %arg8[%swap3A_324, %swap3A_325], %add3A_323 {strides = array<i32>} : memref<161x256xf32, #tpu.memory_space<vmem>>, vector<16xf32>,
            %get3A_327 = arith.index_cast %scan3A_137 : i32 to index
            %get3A_328 = arith.constant 176 : index
            %get3A_329 = tpu.vector_load %arg13[%get3A_327, %get3A_328] {strides = array<i32>} : memref<64x256xf32, #tpu.memory_space<vmem>>, vector<16xf32>,
            %get3A_330 = arith.index_cast %squeeze3A : i32 to index
            %get3A_331 = arith.constant 176 : index
            %get3A_332 = tpu.vector_load %arg7[%get3A_330, %get3A_331] {strides = array<i32>} : memref<161x256xf32, #tpu.memory_space<vmem>>, vector<16xf32>,
            %max3A_333 = arith.maximumf %get3A_332, %get3A_329 : vector<16xf32>
            %swap3A_334 = arith.index_cast %squeeze3A : i32 to index
            %swap3A_335 = arith.constant 176 : index
            %swap3A_336 = tpu.vector_load %arg7[%swap3A_334, %swap3A_335] {strides = array<i32>} : memref<161x256xf32, #tpu.memory_space<vmem>>, vector<16xf32>,
            tpu.vector_store %arg7[%swap3A_334, %swap3A_335], %max3A_333 {strides = array<i32>} : memref<161x256xf32, #tpu.memory_space<vmem>>, vector<16xf32>,
            %get3A_337 = arith.index_cast %squeeze3A : i32 to index
            %get3A_338 = arith.constant 176 : index
            %get3A_339 = tpu.vector_load %arg8[%get3A_337, %get3A_338] {strides = array<i32>} : memref<161x256xf32, #tpu.memory_space<vmem>>, vector<16xf32>,
            %add3A_340 = arith.addf %get3A_339, %get3A_329 : vector<16xf32>
            %swap3A_341 = arith.index_cast %squeeze3A : i32 to index
            %swap3A_342 = arith.constant 176 : index
            %swap3A_343 = tpu.vector_load %arg8[%swap3A_341, %swap3A_342] {strides = array<i32>} : memref<161x256xf32, #tpu.memory_space<vmem>>, vector<16xf32>,
            tpu.vector_store %arg8[%swap3A_341, %swap3A_342], %add3A_340 {strides = array<i32>} : memref<161x256xf32, #tpu.memory_space<vmem>>, vector<16xf32>,
            %get3A_344 = arith.index_cast %scan3A_137 : i32 to index
            %get3A_345 = arith.constant 192 : index
            %get3A_346 = tpu.vector_load %arg13[%get3A_344, %get3A_345] {strides = array<i32>} : memref<64x256xf32, #tpu.memory_space<vmem>>, vector<16xf32>,
            %get3A_347 = arith.index_cast %squeeze3A : i32 to index
            %get3A_348 = arith.constant 192 : index
            %get3A_349 = tpu.vector_load %arg7[%get3A_347, %get3A_348] {strides = array<i32>} : memref<161x256xf32, #tpu.memory_space<vmem>>, vector<16xf32>,
            %max3A_350 = arith.maximumf %get3A_349, %get3A_346 : vector<16xf32>
            %swap3A_351 = arith.index_cast %squeeze3A : i32 to index
            %swap3A_352 = arith.constant 192 : index
            %swap3A_353 = tpu.vector_load %arg7[%swap3A_351, %swap3A_352] {strides = array<i32>} : memref<161x256xf32, #tpu.memory_space<vmem>>, vector<16xf32>,
            tpu.vector_store %arg7[%swap3A_351, %swap3A_352], %max3A_350 {strides = array<i32>} : memref<161x256xf32, #tpu.memory_space<vmem>>, vector<16xf32>,
            %get3A_354 = arith.index_cast %squeeze3A : i32 to index
            %get3A_355 = arith.constant 192 : index
            %get3A_356 = tpu.vector_load %arg8[%get3A_354, %get3A_355] {strides = array<i32>} : memref<161x256xf32, #tpu.memory_space<vmem>>, vector<16xf32>,
            %add3A_357 = arith.addf %get3A_356, %get3A_346 : vector<16xf32>
            %swap3A_358 = arith.index_cast %squeeze3A : i32 to index
            %swap3A_359 = arith.constant 192 : index
            %swap3A_360 = tpu.vector_load %arg8[%swap3A_358, %swap3A_359] {strides = array<i32>} : memref<161x256xf32, #tpu.memory_space<vmem>>, vector<16xf32>,
            tpu.vector_store %arg8[%swap3A_358, %swap3A_359], %add3A_357 {strides = array<i32>} : memref<161x256xf32, #tpu.memory_space<vmem>>, vector<16xf32>,
            %get3A_361 = arith.index_cast %scan3A_137 : i32 to index
            %get3A_362 = arith.constant 208 : index
            %get3A_363 = tpu.vector_load %arg13[%get3A_361, %get3A_362] {strides = array<i32>} : memref<64x256xf32, #tpu.memory_space<vmem>>, vector<16xf32>,
            %get3A_364 = arith.index_cast %squeeze3A : i32 to index
            %get3A_365 = arith.constant 208 : index
            %get3A_366 = tpu.vector_load %arg7[%get3A_364, %get3A_365] {strides = array<i32>} : memref<161x256xf32, #tpu.memory_space<vmem>>, vector<16xf32>,
            %max3A_367 = arith.maximumf %get3A_366, %get3A_363 : vector<16xf32>
            %swap3A_368 = arith.index_cast %squeeze3A : i32 to index
            %swap3A_369 = arith.constant 208 : index
            %swap3A_370 = tpu.vector_load %arg7[%swap3A_368, %swap3A_369] {strides = array<i32>} : memref<161x256xf32, #tpu.memory_space<vmem>>, vector<16xf32>,
            tpu.vector_store %arg7[%swap3A_368, %swap3A_369], %max3A_367 {strides = array<i32>} : memref<161x256xf32, #tpu.memory_space<vmem>>, vector<16xf32>,
            %get3A_371 = arith.index_cast %squeeze3A : i32 to index
            %get3A_372 = arith.constant 208 : index
            %get3A_373 = tpu.vector_load %arg8[%get3A_371, %get3A_372] {strides = array<i32>} : memref<161x256xf32, #tpu.memory_space<vmem>>, vector<16xf32>,
            %add3A_374 = arith.addf %get3A_373, %get3A_363 : vector<16xf32>
            %swap3A_375 = arith.index_cast %squeeze3A : i32 to index
            %swap3A_376 = arith.constant 208 : index
            %swap3A_377 = tpu.vector_load %arg8[%swap3A_375, %swap3A_376] {strides = array<i32>} : memref<161x256xf32, #tpu.memory_space<vmem>>, vector<16xf32>,
            tpu.vector_store %arg8[%swap3A_375, %swap3A_376], %add3A_374 {strides = array<i32>} : memref<161x256xf32, #tpu.memory_space<vmem>>, vector<16xf32>,
            %get3A_378 = arith.index_cast %scan3A_137 : i32 to index
            %get3A_379 = arith.constant 224 : index
            %get3A_380 = tpu.vector_load %arg13[%get3A_378, %get3A_379] {strides = array<i32>} : memref<64x256xf32, #tpu.memory_space<vmem>>, vector<16xf32>,
            %get3A_381 = arith.index_cast %squeeze3A : i32 to index
            %get3A_382 = arith.constant 224 : index
            %get3A_383 = tpu.vector_load %arg7[%get3A_381, %get3A_382] {strides = array<i32>} : memref<161x256xf32, #tpu.memory_space<vmem>>, vector<16xf32>,
            %max3A_384 = arith.maximumf %get3A_383, %get3A_380 : vector<16xf32>
            %swap3A_385 = arith.index_cast %squeeze3A : i32 to index
            %swap3A_386 = arith.constant 224 : index
            %swap3A_387 = tpu.vector_load %arg7[%swap3A_385, %swap3A_386] {strides = array<i32>} : memref<161x256xf32, #tpu.memory_space<vmem>>, vector<16xf32>,
            tpu.vector_store %arg7[%swap3A_385, %swap3A_386], %max3A_384 {strides = array<i32>} : memref<161x256xf32, #tpu.memory_space<vmem>>, vector<16xf32>,
            %get3A_388 = arith.index_cast %squeeze3A : i32 to index
            %get3A_389 = arith.constant 224 : index
            %get3A_390 = tpu.vector_load %arg8[%get3A_388, %get3A_389] {strides = array<i32>} : memref<161x256xf32, #tpu.memory_space<vmem>>, vector<16xf32>,
            %add3A_391 = arith.addf %get3A_390, %get3A_380 : vector<16xf32>
            %swap3A_392 = arith.index_cast %squeeze3A : i32 to index
            %swap3A_393 = arith.constant 224 : index
            %swap3A_394 = tpu.vector_load %arg8[%swap3A_392, %swap3A_393] {strides = array<i32>} : memref<161x256xf32, #tpu.memory_space<vmem>>, vector<16xf32>,
            tpu.vector_store %arg8[%swap3A_392, %swap3A_393], %add3A_391 {strides = array<i32>} : memref<161x256xf32, #tpu.memory_space<vmem>>, vector<16xf32>,
            %get3A_395 = arith.index_cast %scan3A_137 : i32 to index
            %get3A_396 = arith.constant 240 : index
            %get3A_397 = tpu.vector_load %arg13[%get3A_395, %get3A_396] {strides = array<i32>} : memref<64x256xf32, #tpu.memory_space<vmem>>, vector<16xf32>,
            %get3A_398 = arith.index_cast %squeeze3A : i32 to index
            %get3A_399 = arith.constant 240 : index
            %get3A_400 = tpu.vector_load %arg7[%get3A_398, %get3A_399] {strides = array<i32>} : memref<161x256xf32, #tpu.memory_space<vmem>>, vector<16xf32>,
            %max3A_401 = arith.maximumf %get3A_400, %get3A_397 : vector<16xf32>
            %swap3A_402 = arith.index_cast %squeeze3A : i32 to index
            %swap3A_403 = arith.constant 240 : index
            %swap3A_404 = tpu.vector_load %arg7[%swap3A_402, %swap3A_403] {strides = array<i32>} : memref<161x256xf32, #tpu.memory_space<vmem>>, vector<16xf32>,
            tpu.vector_store %arg7[%swap3A_402, %swap3A_403], %max3A_401 {strides = array<i32>} : memref<161x256xf32, #tpu.memory_space<vmem>>, vector<16xf32>,
            %get3A_405 = arith.index_cast %squeeze3A : i32 to index
            %get3A_406 = arith.constant 240 : index
            %get3A_407 = tpu.vector_load %arg8[%get3A_405, %get3A_406] {strides = array<i32>} : memref<161x256xf32, #tpu.memory_space<vmem>>, vector<16xf32>,
            %add3A_408 = arith.addf %get3A_407, %get3A_397 : vector<16xf32>
            %swap3A_409 = arith.index_cast %squeeze3A : i32 to index
            %swap3A_410 = arith.constant 240 : index
            %swap3A_411 = tpu.vector_load %arg8[%swap3A_409, %swap3A_410] {strides = array<i32>} : memref<161x256xf32, #tpu.memory_space<vmem>>, vector<16xf32>,
            tpu.vector_store %arg8[%swap3A_409, %swap3A_410], %add3A_408 {strides = array<i32>} : memref<161x256xf32, #tpu.memory_space<vmem>>, vector<16xf32>,
            %scan3A_412 = arith.constant 0 : i32
            scf.yield %scan3A_412 : i32
          }
          %scan3A_135 = arith.constant 64 : i32
          %while3A_136 = arith.constant 0 : i32
          scf.yield %while3A_136 : i32
        }
        %scan3A_118 = arith.constant 0 : i32
        scf.yield %scan3A_118 : i32
      }
      %scan3A_30 = arith.constant 80 : i32
      %scan3A_31 = arith.constant 0 : i32
      %scan3A_32 = arith.constant 0 : i32
      %scan3A_33 = arith.constant 160 : i32
      %scan3A_34 = arith.addi %scan3A_32, %scan3A_33 : i32
      %scan3A_35 = arith.constant 1 : i32
      %scan3A_36 = scf.for %scan3A_39 = %scan3A_32 to %scan3A_34 step %scan3A_35 iter_args(%scan3A_40 = %scan3A_31) -> (i32)  : i32 {
        %get3A = arith.index_cast %scan3A_39 : i32 to index
        %get3A_41 = arith.constant 0 : index
        %get3A_42 = tpu.vector_load %arg7[%get3A, %get3A_41] {strides = array<i32>} : memref<161x256xf32, #tpu.memory_space<vmem>>, vector<16xf32>,
        %eq3A = arith.constant 0xFF800000 : f32
        %eq3A_43 = vector.broadcast %eq3A : f32 to vector<16xf32>
        %eq3A_44 = arith.cmpf oeq, %get3A_42, %eq3A_43 : vector<16xf32>
        %jit3A = arith.constant 0.000000e+00 : f32
        %broadcast_in_dim3A_45 = vector.broadcast %jit3A : f32 to vector<16xf32>
        %select_n3A = arith.select %eq3A_44, %broadcast_in_dim3A_45, %get3A_42 : vector<16xi1>, vector<16xf32>
        %swap3A = arith.index_cast %scan3A_39 : i32 to index
        %swap3A_46 = arith.constant 0 : index
        %swap3A_47 = tpu.vector_load %arg7[%swap3A, %swap3A_46] {strides = array<i32>} : memref<161x256xf32, #tpu.memory_space<vmem>>, vector<16xf32>,
        tpu.vector_store %arg7[%swap3A, %swap3A_46], %select_n3A {strides = array<i32>} : memref<161x256xf32, #tpu.memory_space<vmem>>, vector<16xf32>,
        %get3A_48 = arith.index_cast %scan3A_39 : i32 to index
        %get3A_49 = arith.constant 16 : index
        %get3A_50 = tpu.vector_load %arg7[%get3A_48, %get3A_49] {strides = array<i32>} : memref<161x256xf32, #tpu.memory_space<vmem>>, vector<16xf32>,
        %eq3A_51 = arith.constant 0xFF800000 : f32
        %eq3A_52 = vector.broadcast %eq3A_51 : f32 to vector<16xf32>
        %eq3A_53 = arith.cmpf oeq, %get3A_50, %eq3A_52 : vector<16xf32>
        %jit3A_54 = arith.constant 0.000000e+00 : f32
        %broadcast_in_dim3A_55 = vector.broadcast %jit3A_54 : f32 to vector<16xf32>
        %select_n3A_56 = arith.select %eq3A_53, %broadcast_in_dim3A_55, %get3A_50 : vector<16xi1>, vector<16xf32>
        %swap3A_57 = arith.index_cast %scan3A_39 : i32 to index
        %swap3A_58 = arith.constant 16 : index
        %swap3A_59 = tpu.vector_load %arg7[%swap3A_57, %swap3A_58] {strides = array<i32>} : memref<161x256xf32, #tpu.memory_space<vmem>>, vector<16xf32>,
        tpu.vector_store %arg7[%swap3A_57, %swap3A_58], %select_n3A_56 {strides = array<i32>} : memref<161x256xf32, #tpu.memory_space<vmem>>, vector<16xf32>,
        %get3A_60 = arith.index_cast %scan3A_39 : i32 to index
        %get3A_61 = arith.constant 32 : index
        %get3A_62 = tpu.vector_load %arg7[%get3A_60, %get3A_61] {strides = array<i32>} : memref<161x256xf32, #tpu.memory_space<vmem>>, vector<16xf32>,
        %eq3A_63 = arith.constant 0xFF800000 : f32
        %eq3A_64 = vector.broadcast %eq3A_63 : f32 to vector<16xf32>
        %eq3A_65 = arith.cmpf oeq, %get3A_62, %eq3A_64 : vector<16xf32>
        %jit3A_66 = arith.constant 0.000000e+00 : f32
        %broadcast_in_dim3A_67 = vector.broadcast %jit3A_66 : f32 to vector<16xf32>
        %select_n3A_68 = arith.select %eq3A_65, %broadcast_in_dim3A_67, %get3A_62 : vector<16xi1>, vector<16xf32>
        %swap3A_69 = arith.index_cast %scan3A_39 : i32 to index
        %swap3A_70 = arith.constant 32 : index
        %swap3A_71 = tpu.vector_load %arg7[%swap3A_69, %swap3A_70] {strides = array<i32>} : memref<161x256xf32, #tpu.memory_space<vmem>>, vector<16xf32>,
        tpu.vector_store %arg7[%swap3A_69, %swap3A_70], %select_n3A_68 {strides = array<i32>} : memref<161x256xf32, #tpu.memory_space<vmem>>, vector<16xf32>,
        %get3A_72 = arith.index_cast %scan3A_39 : i32 to index
        %get3A_73 = arith.constant 48 : index
        %get3A_74 = tpu.vector_load %arg7[%get3A_72, %get3A_73] {strides = array<i32>} : memref<161x256xf32, #tpu.memory_space<vmem>>, vector<16xf32>,
        %eq3A_75 = arith.constant 0xFF800000 : f32
        %eq3A_76 = vector.broadcast %eq3A_75 : f32 to vector<16xf32>
        %eq3A_77 = arith.cmpf oeq, %get3A_74, %eq3A_76 : vector<16xf32>
        %jit3A_78 = arith.constant 0.000000e+00 : f32
        %broadcast_in_dim3A_79 = vector.broadcast %jit3A_78 : f32 to vector<16xf32>
        %select_n3A_80 = arith.select %eq3A_77, %broadcast_in_dim3A_79, %get3A_74 : vector<16xi1>, vector<16xf32>
        %swap3A_81 = arith.index_cast %scan3A_39 : i32 to index
        %swap3A_82 = arith.constant 48 : index
        %swap3A_83 = tpu.vector_load %arg7[%swap3A_81, %swap3A_82] {strides = array<i32>} : memref<161x256xf32, #tpu.memory_space<vmem>>, vector<16xf32>,
        tpu.vector_store %arg7[%swap3A_81, %swap3A_82], %select_n3A_80 {strides = array<i32>} : memref<161x256xf32, #tpu.memory_space<vmem>>, vector<16xf32>,
        %get3A_84 = arith.index_cast %scan3A_39 : i32 to index
        %get3A_85 = arith.constant 64 : index
        %get3A_86 = tpu.vector_load %arg7[%get3A_84, %get3A_85] {strides = array<i32>} : memref<161x256xf32, #tpu.memory_space<vmem>>, vector<16xf32>,
        %eq3A_87 = arith.constant 0xFF800000 : f32
        %eq3A_88 = vector.broadcast %eq3A_87 : f32 to vector<16xf32>
        %eq3A_89 = arith.cmpf oeq, %get3A_86, %eq3A_88 : vector<16xf32>
        %jit3A_90 = arith.constant 0.000000e+00 : f32
        %broadcast_in_dim3A_91 = vector.broadcast %jit3A_90 : f32 to vector<16xf32>
        %select_n3A_92 = arith.select %eq3A_89, %broadcast_in_dim3A_91, %get3A_86 : vector<16xi1>, vector<16xf32>
        %swap3A_93 = arith.index_cast %scan3A_39 : i32 to index
        %swap3A_94 = arith.constant 64 : index
        %swap3A_95 = tpu.vector_load %arg7[%swap3A_93, %swap3A_94] {strides = array<i32>} : memref<161x256xf32, #tpu.memory_space<vmem>>, vector<16xf32>,
        tpu.vector_store %arg7[%swap3A_93, %swap3A_94], %select_n3A_92 {strides = array<i32>} : memref<161x256xf32, #tpu.memory_space<vmem>>, vector<16xf32>,
        %get3A_96 = arith.index_cast %scan3A_39 : i32 to index
        %get3A_97 = arith.constant 80 : index
        %get3A_98 = tpu.vector_load %arg7[%get3A_96, %get3A_97] {strides = array<i32>} : memref<161x256xf32, #tpu.memory_space<vmem>>, vector<16xf32>,
        %eq3A_99 = arith.constant 0xFF800000 : f32
        %eq3A_100 = vector.broadcast %eq3A_99 : f32 to vector<16xf32>
        %eq3A_101 = arith.cmpf oeq, %get3A_98, %eq3A_100 : vector<16xf32>
        %jit3A_102 = arith.constant 0.000000e+00 : f32
        %broadcast_in_dim3A_103 = vector.broadcast %jit3A_102 : f32 to vector<16xf32>
        %select_n3A_104 = arith.select %eq3A_101, %broadcast_in_dim3A_103, %get3A_98 : vector<16xi1>, vector<16xf32>
        %swap3A_105 = arith.index_cast %scan3A_39 : i32 to index
        %swap3A_106 = arith.constant 80 : index
        %swap3A_107 = tpu.vector_load %arg7[%swap3A_105, %swap3A_106] {strides = array<i32>} : memref<161x256xf32, #tpu.memory_space<vmem>>, vector<16xf32>,
        tpu.vector_store %arg7[%swap3A_105, %swap3A_106], %select_n3A_104 {strides = array<i32>} : memref<161x256xf32, #tpu.memory_space<vmem>>, vector<16xf32>,
        %get3A_108 = arith.index_cast %scan3A_39 : i32 to index
        %get3A_109 = arith.constant 96 : index
        %get3A_110 = tpu.vector_load %arg7[%get3A_108, %get3A_109] {strides = array<i32>} : memref<161x256xf32, #tpu.memory_space<vmem>>, vector<16xf32>,
        %eq3A_111 = arith.constant 0xFF800000 : f32
        %eq3A_112 = vector.broadcast %eq3A_111 : f32 to vector<16xf32>
        %eq3A_113 = arith.cmpf oeq, %get3A_110, %eq3A_112 : vector<16xf32>
        %jit3A_114 = arith.constant 0.000000e+00 : f32
        %broadcast_in_dim3A_115 = vector.broadcast %jit3A_114 : f32 to vector<16xf32>
        %select_n3A_116 = arith.select %eq3A_113, %broadcast_in_dim3A_115, %get3A_110 : vector<16xi1>, vector<16xf32>
        %swap3A_117 = arith.index_cast %scan3A_39 : i32 to index
        %swap3A_118 = arith.constant 96 : index
        %swap3A_119 = tpu.vector_load %arg7[%swap3A_117, %swap3A_118] {strides = array<i32>} : memref<161x256xf32, #tpu.memory_space<vmem>>, vector<16xf32>,
        tpu.vector_store %arg7[%swap3A_117, %swap3A_118], %select_n3A_116 {strides = array<i32>} : memref<161x256xf32, #tpu.memory_space<vmem>>, vector<16xf32>,
        %get3A_120 = arith.index_cast %scan3A_39 : i32 to index
        %get3A_121 = arith.constant 112 : index
        %get3A_122 = tpu.vector_load %arg7[%get3A_120, %get3A_121] {strides = array<i32>} : memref<161x256xf32, #tpu.memory_space<vmem>>, vector<16xf32>,
        %eq3A_123 = arith.constant 0xFF800000 : f32
        %eq3A_124 = vector.broadcast %eq3A_123 : f32 to vector<16xf32>
        %eq3A_125 = arith.cmpf oeq, %get3A_122, %eq3A_124 : vector<16xf32>
        %jit3A_126 = arith.constant 0.000000e+00 : f32
        %broadcast_in_dim3A_127 = vector.broadcast %jit3A_126 : f32 to vector<16xf32>
        %select_n3A_128 = arith.select %eq3A_125, %broadcast_in_dim3A_127, %get3A_122 : vector<16xi1>, vector<16xf32>
        %swap3A_129 = arith.index_cast %scan3A_39 : i32 to index
        %swap3A_130 = arith.constant 112 : index
        %swap3A_131 = tpu.vector_load %arg7[%swap3A_129, %swap3A_130] {strides = array<i32>} : memref<161x256xf32, #tpu.memory_space<vmem>>, vector<16xf32>,
        tpu.vector_store %arg7[%swap3A_129, %swap3A_130], %select_n3A_128 {strides = array<i32>} : memref<161x256xf32, #tpu.memory_space<vmem>>, vector<16xf32>,
        %get3A_132 = arith.index_cast %scan3A_39 : i32 to index
        %get3A_133 = arith.constant 128 : index
        %get3A_134 = tpu.vector_load %arg7[%get3A_132, %get3A_133] {strides = array<i32>} : memref<161x256xf32, #tpu.memory_space<vmem>>, vector<16xf32>,
        %eq3A_135 = arith.constant 0xFF800000 : f32
        %eq3A_136 = vector.broadcast %eq3A_135 : f32 to vector<16xf32>
        %eq3A_137 = arith.cmpf oeq, %get3A_134, %eq3A_136 : vector<16xf32>
        %jit3A_138 = arith.constant 0.000000e+00 : f32
        %broadcast_in_dim3A_139 = vector.broadcast %jit3A_138 : f32 to vector<16xf32>
        %select_n3A_140 = arith.select %eq3A_137, %broadcast_in_dim3A_139, %get3A_134 : vector<16xi1>, vector<16xf32>
        %swap3A_141 = arith.index_cast %scan3A_39 : i32 to index
        %swap3A_142 = arith.constant 128 : index
        %swap3A_143 = tpu.vector_load %arg7[%swap3A_141, %swap3A_142] {strides = array<i32>} : memref<161x256xf32, #tpu.memory_space<vmem>>, vector<16xf32>,
        tpu.vector_store %arg7[%swap3A_141, %swap3A_142], %select_n3A_140 {strides = array<i32>} : memref<161x256xf32, #tpu.memory_space<vmem>>, vector<16xf32>,
        %get3A_144 = arith.index_cast %scan3A_39 : i32 to index
        %get3A_145 = arith.constant 144 : index
        %get3A_146 = tpu.vector_load %arg7[%get3A_144, %get3A_145] {strides = array<i32>} : memref<161x256xf32, #tpu.memory_space<vmem>>, vector<16xf32>,
        %eq3A_147 = arith.constant 0xFF800000 : f32
        %eq3A_148 = vector.broadcast %eq3A_147 : f32 to vector<16xf32>
        %eq3A_149 = arith.cmpf oeq, %get3A_146, %eq3A_148 : vector<16xf32>
        %jit3A_150 = arith.constant 0.000000e+00 : f32
        %broadcast_in_dim3A_151 = vector.broadcast %jit3A_150 : f32 to vector<16xf32>
        %select_n3A_152 = arith.select %eq3A_149, %broadcast_in_dim3A_151, %get3A_146 : vector<16xi1>, vector<16xf32>
        %swap3A_153 = arith.index_cast %scan3A_39 : i32 to index
        %swap3A_154 = arith.constant 144 : index
        %swap3A_155 = tpu.vector_load %arg7[%swap3A_153, %swap3A_154] {strides = array<i32>} : memref<161x256xf32, #tpu.memory_space<vmem>>, vector<16xf32>,
        tpu.vector_store %arg7[%swap3A_153, %swap3A_154], %select_n3A_152 {strides = array<i32>} : memref<161x256xf32, #tpu.memory_space<vmem>>, vector<16xf32>,
        %get3A_156 = arith.index_cast %scan3A_39 : i32 to index
        %get3A_157 = arith.constant 160 : index
        %get3A_158 = tpu.vector_load %arg7[%get3A_156, %get3A_157] {strides = array<i32>} : memref<161x256xf32, #tpu.memory_space<vmem>>, vector<16xf32>,
        %eq3A_159 = arith.constant 0xFF800000 : f32
        %eq3A_160 = vector.broadcast %eq3A_159 : f32 to vector<16xf32>
        %eq3A_161 = arith.cmpf oeq, %get3A_158, %eq3A_160 : vector<16xf32>
        %jit3A_162 = arith.constant 0.000000e+00 : f32
        %broadcast_in_dim3A_163 = vector.broadcast %jit3A_162 : f32 to vector<16xf32>
        %select_n3A_164 = arith.select %eq3A_161, %broadcast_in_dim3A_163, %get3A_158 : vector<16xi1>, vector<16xf32>
        %swap3A_165 = arith.index_cast %scan3A_39 : i32 to index
        %swap3A_166 = arith.constant 160 : index
        %swap3A_167 = tpu.vector_load %arg7[%swap3A_165, %swap3A_166] {strides = array<i32>} : memref<161x256xf32, #tpu.memory_space<vmem>>, vector<16xf32>,
        tpu.vector_store %arg7[%swap3A_165, %swap3A_166], %select_n3A_164 {strides = array<i32>} : memref<161x256xf32, #tpu.memory_space<vmem>>, vector<16xf32>,
        %get3A_168 = arith.index_cast %scan3A_39 : i32 to index
        %get3A_169 = arith.constant 176 : index
        %get3A_170 = tpu.vector_load %arg7[%get3A_168, %get3A_169] {strides = array<i32>} : memref<161x256xf32, #tpu.memory_space<vmem>>, vector<16xf32>,
        %eq3A_171 = arith.constant 0xFF800000 : f32
        %eq3A_172 = vector.broadcast %eq3A_171 : f32 to vector<16xf32>
        %eq3A_173 = arith.cmpf oeq, %get3A_170, %eq3A_172 : vector<16xf32>
        %jit3A_174 = arith.constant 0.000000e+00 : f32
        %broadcast_in_dim3A_175 = vector.broadcast %jit3A_174 : f32 to vector<16xf32>
        %select_n3A_176 = arith.select %eq3A_173, %broadcast_in_dim3A_175, %get3A_170 : vector<16xi1>, vector<16xf32>
        %swap3A_177 = arith.index_cast %scan3A_39 : i32 to index
        %swap3A_178 = arith.constant 176 : index
        %swap3A_179 = tpu.vector_load %arg7[%swap3A_177, %swap3A_178] {strides = array<i32>} : memref<161x256xf32, #tpu.memory_space<vmem>>, vector<16xf32>,
        tpu.vector_store %arg7[%swap3A_177, %swap3A_178], %select_n3A_176 {strides = array<i32>} : memref<161x256xf32, #tpu.memory_space<vmem>>, vector<16xf32>,
        %get3A_180 = arith.index_cast %scan3A_39 : i32 to index
        %get3A_181 = arith.constant 192 : index
        %get3A_182 = tpu.vector_load %arg7[%get3A_180, %get3A_181] {strides = array<i32>} : memref<161x256xf32, #tpu.memory_space<vmem>>, vector<16xf32>,
        %eq3A_183 = arith.constant 0xFF800000 : f32
        %eq3A_184 = vector.broadcast %eq3A_183 : f32 to vector<16xf32>
        %eq3A_185 = arith.cmpf oeq, %get3A_182, %eq3A_184 : vector<16xf32>
        %jit3A_186 = arith.constant 0.000000e+00 : f32
        %broadcast_in_dim3A_187 = vector.broadcast %jit3A_186 : f32 to vector<16xf32>
        %select_n3A_188 = arith.select %eq3A_185, %broadcast_in_dim3A_187, %get3A_182 : vector<16xi1>, vector<16xf32>
        %swap3A_189 = arith.index_cast %scan3A_39 : i32 to index
        %swap3A_190 = arith.constant 192 : index
        %swap3A_191 = tpu.vector_load %arg7[%swap3A_189, %swap3A_190] {strides = array<i32>} : memref<161x256xf32, #tpu.memory_space<vmem>>, vector<16xf32>,
        tpu.vector_store %arg7[%swap3A_189, %swap3A_190], %select_n3A_188 {strides = array<i32>} : memref<161x256xf32, #tpu.memory_space<vmem>>, vector<16xf32>,
        %get3A_192 = arith.index_cast %scan3A_39 : i32 to index
        %get3A_193 = arith.constant 208 : index
        %get3A_194 = tpu.vector_load %arg7[%get3A_192, %get3A_193] {strides = array<i32>} : memref<161x256xf32, #tpu.memory_space<vmem>>, vector<16xf32>,
        %eq3A_195 = arith.constant 0xFF800000 : f32
        %eq3A_196 = vector.broadcast %eq3A_195 : f32 to vector<16xf32>
        %eq3A_197 = arith.cmpf oeq, %get3A_194, %eq3A_196 : vector<16xf32>
        %jit3A_198 = arith.constant 0.000000e+00 : f32
        %broadcast_in_dim3A_199 = vector.broadcast %jit3A_198 : f32 to vector<16xf32>
        %select_n3A_200 = arith.select %eq3A_197, %broadcast_in_dim3A_199, %get3A_194 : vector<16xi1>, vector<16xf32>
        %swap3A_201 = arith.index_cast %scan3A_39 : i32 to index
        %swap3A_202 = arith.constant 208 : index
        %swap3A_203 = tpu.vector_load %arg7[%swap3A_201, %swap3A_202] {strides = array<i32>} : memref<161x256xf32, #tpu.memory_space<vmem>>, vector<16xf32>,
        tpu.vector_store %arg7[%swap3A_201, %swap3A_202], %select_n3A_200 {strides = array<i32>} : memref<161x256xf32, #tpu.memory_space<vmem>>, vector<16xf32>,
        %get3A_204 = arith.index_cast %scan3A_39 : i32 to index
        %get3A_205 = arith.constant 224 : index
        %get3A_206 = tpu.vector_load %arg7[%get3A_204, %get3A_205] {strides = array<i32>} : memref<161x256xf32, #tpu.memory_space<vmem>>, vector<16xf32>,
        %eq3A_207 = arith.constant 0xFF800000 : f32
        %eq3A_208 = vector.broadcast %eq3A_207 : f32 to vector<16xf32>
        %eq3A_209 = arith.cmpf oeq, %get3A_206, %eq3A_208 : vector<16xf32>
        %jit3A_210 = arith.constant 0.000000e+00 : f32
        %broadcast_in_dim3A_211 = vector.broadcast %jit3A_210 : f32 to vector<16xf32>
        %select_n3A_212 = arith.select %eq3A_209, %broadcast_in_dim3A_211, %get3A_206 : vector<16xi1>, vector<16xf32>
        %swap3A_213 = arith.index_cast %scan3A_39 : i32 to index
        %swap3A_214 = arith.constant 224 : index
        %swap3A_215 = tpu.vector_load %arg7[%swap3A_213, %swap3A_214] {strides = array<i32>} : memref<161x256xf32, #tpu.memory_space<vmem>>, vector<16xf32>,
        tpu.vector_store %arg7[%swap3A_213, %swap3A_214], %select_n3A_212 {strides = array<i32>} : memref<161x256xf32, #tpu.memory_space<vmem>>, vector<16xf32>,
        %get3A_216 = arith.index_cast %scan3A_39 : i32 to index
        %get3A_217 = arith.constant 240 : index
        %get3A_218 = tpu.vector_load %arg7[%get3A_216, %get3A_217] {strides = array<i32>} : memref<161x256xf32, #tpu.memory_space<vmem>>, vector<16xf32>,
        %eq3A_219 = arith.constant 0xFF800000 : f32
        %eq3A_220 = vector.broadcast %eq3A_219 : f32 to vector<16xf32>
        %eq3A_221 = arith.cmpf oeq, %get3A_218, %eq3A_220 : vector<16xf32>
        %jit3A_222 = arith.constant 0.000000e+00 : f32
        %broadcast_in_dim3A_223 = vector.broadcast %jit3A_222 : f32 to vector<16xf32>
        %select_n3A_224 = arith.select %eq3A_221, %broadcast_in_dim3A_223, %get3A_218 : vector<16xi1>, vector<16xf32>
        %swap3A_225 = arith.index_cast %scan3A_39 : i32 to index
        %swap3A_226 = arith.constant 240 : index
        %swap3A_227 = tpu.vector_load %arg7[%swap3A_225, %swap3A_226] {strides = array<i32>} : memref<161x256xf32, #tpu.memory_space<vmem>>, vector<16xf32>,
        tpu.vector_store %arg7[%swap3A_225, %swap3A_226], %select_n3A_224 {strides = array<i32>} : memref<161x256xf32, #tpu.memory_space<vmem>>, vector<16xf32>,
        %scan3A_228 = arith.constant 0 : i32
        scf.yield %scan3A_228 : i32
      }
      %scan3A_37 = arith.constant 160 : i32
      "tpu.region"() ({
        %run_scoped3A = tpu.sem_alloc : memref<!tpu.dma_semaphore, #tpu.memory_space<semaphore_mem>>
        %dma_start3A = arith.constant 0 : i32
        %dma_start3A_39 = arith.constant 0 : i32
        %dma_start3A_40 = tpu.memref_slice %arg7[%dma_start3A, %dma_start3A_39] : memref<161x256xf32, #tpu.memory_space<vmem>> -> memref<160x256xf32, #tpu.memory_space<vmem>>
        %dma_start3A_41 = arith.constant 0 : i32
        %dma_start3A_42 = tpu.memref_slice %arg6[%add3A_16, %dma_start3A_41] : memref<10240x256xf32, #tpu.memory_space<hbm>> -> memref<160x256xf32, #tpu.memory_space<hbm>>
        %dma_start3A_43 = arith.constant 0 : i32
        %dma_start3A_44 = tpu.memref_slice %arg6[%add3A_16, %dma_start3A_43] : memref<10240x256xf32, #tpu.memory_space<hbm>> -> memref<160x256xf32, #tpu.memory_space<hbm>>
        %dma_start3A_45 = arith.constant 0 : i32
        %dma_start3A_46 = arith.constant 0 : i32
        %dma_start3A_47 = tpu.memref_slice %arg7[%dma_start3A_45, %dma_start3A_46] : memref<161x256xf32, #tpu.memory_space<vmem>> -> memref<160x256xf32, #tpu.memory_space<vmem>>
        tpu.enqueue_dma source(%dma_start3A_47 : memref<160x256xf32, #tpu.memory_space<vmem>>) target(%dma_start3A_44 : memref<160x256xf32, #tpu.memory_space<hbm>>) target_semaphore(%run_scoped3A : memref<!tpu.dma_semaphore, #tpu.memory_space<semaphore_mem>>)
        %dma_wait3A = arith.constant 0 : i32
        %dma_wait3A_48 = arith.constant 0 : i32
        %dma_wait3A_49 = tpu.memref_slice %arg7[%dma_wait3A, %dma_wait3A_48] : memref<161x256xf32, #tpu.memory_space<vmem>> -> memref<160x256xf32, #tpu.memory_space<vmem>>
        %dma_wait3A_50 = arith.constant 0 : i32
        %dma_wait3A_51 = tpu.memref_slice %arg6[%add3A_16, %dma_wait3A_50] : memref<10240x256xf32, #tpu.memory_space<hbm>> -> memref<160x256xf32, #tpu.memory_space<hbm>>
        %dma_wait3A_52 = arith.constant 0 : i32
        %dma_wait3A_53 = tpu.memref_slice %arg6[%add3A_16, %dma_wait3A_52] : memref<10240x256xf32, #tpu.memory_space<hbm>> -> memref<160x256xf32, #tpu.memory_space<hbm>>
        %dma_wait3A_54 = arith.constant 0 : i32
        %dma_wait3A_55 = arith.constant 0 : i32
        %dma_wait3A_56 = tpu.memref_slice %arg7[%dma_wait3A_54, %dma_wait3A_55] : memref<161x256xf32, #tpu.memory_space<vmem>> -> memref<160x256xf32, #tpu.memory_space<vmem>>
        tpu.wait_dma2 semaphore(%run_scoped3A : memref<!tpu.dma_semaphore, #tpu.memory_space<semaphore_mem>>) src(%dma_wait3A_56 : memref<160x256xf32, #tpu.memory_space<vmem>>) dst(%dma_wait3A_53 : memref<160x256xf32, #tpu.memory_space<hbm>>)
        tpu.yield
      }) : () -> ()
      "tpu.region"() ({
        %run_scoped3A = tpu.sem_alloc : memref<!tpu.dma_semaphore, #tpu.memory_space<semaphore_mem>>
        %dma_start3A = arith.constant 0 : i32
        %dma_start3A_39 = arith.constant 0 : i32
        %dma_start3A_40 = tpu.memref_slice %arg8[%dma_start3A, %dma_start3A_39] : memref<161x256xf32, #tpu.memory_space<vmem>> -> memref<160x256xf32, #tpu.memory_space<vmem>>
        %dma_start3A_41 = arith.constant 0 : i32
        %dma_start3A_42 = tpu.memref_slice %arg5[%add3A_16, %dma_start3A_41] : memref<10240x256xf32, #tpu.memory_space<hbm>> -> memref<160x256xf32, #tpu.memory_space<hbm>>
        %dma_start3A_43 = arith.constant 0 : i32
        %dma_start3A_44 = tpu.memref_slice %arg5[%add3A_16, %dma_start3A_43] : memref<10240x256xf32, #tpu.memory_space<hbm>> -> memref<160x256xf32, #tpu.memory_space<hbm>>
        %dma_start3A_45 = arith.constant 0 : i32
        %dma_start3A_46 = arith.constant 0 : i32
        %dma_start3A_47 = tpu.memref_slice %arg8[%dma_start3A_45, %dma_start3A_46] : memref<161x256xf32, #tpu.memory_space<vmem>> -> memref<160x256xf32, #tpu.memory_space<vmem>>
        tpu.enqueue_dma source(%dma_start3A_47 : memref<160x256xf32, #tpu.memory_space<vmem>>) target(%dma_start3A_44 : memref<160x256xf32, #tpu.memory_space<hbm>>) target_semaphore(%run_scoped3A : memref<!tpu.dma_semaphore, #tpu.memory_space<semaphore_mem>>)
        %dma_wait3A = arith.constant 0 : i32
        %dma_wait3A_48 = arith.constant 0 : i32
        %dma_wait3A_49 = tpu.memref_slice %arg8[%dma_wait3A, %dma_wait3A_48] : memref<161x256xf32, #tpu.memory_space<vmem>> -> memref<160x256xf32, #tpu.memory_space<vmem>>
        %dma_wait3A_50 = arith.constant 0 : i32
        %dma_wait3A_51 = tpu.memref_slice %arg5[%add3A_16, %dma_wait3A_50] : memref<10240x256xf32, #tpu.memory_space<hbm>> -> memref<160x256xf32, #tpu.memory_space<hbm>>
        %dma_wait3A_52 = arith.constant 0 : i32
        %dma_wait3A_53 = tpu.memref_slice %arg5[%add3A_16, %dma_wait3A_52] : memref<10240x256xf32, #tpu.memory_space<hbm>> -> memref<160x256xf32, #tpu.memory_space<hbm>>
        %dma_wait3A_54 = arith.constant 0 : i32
        %dma_wait3A_55 = arith.constant 0 : i32
        %dma_wait3A_56 = tpu.memref_slice %arg8[%dma_wait3A_54, %dma_wait3A_55] : memref<161x256xf32, #tpu.memory_space<vmem>> -> memref<160x256xf32, #tpu.memory_space<vmem>>
        tpu.wait_dma2 semaphore(%run_scoped3A : memref<!tpu.dma_semaphore, #tpu.memory_space<semaphore_mem>>) src(%dma_wait3A_56 : memref<160x256xf32, #tpu.memory_space<vmem>>) dst(%dma_wait3A_53 : memref<160x256xf32, #tpu.memory_space<hbm>>)
        tpu.yield
      }) : () -> ()
      %scan3A_38 = arith.constant 0 : i32
      scf.yield %scan3A_38 : i32
    }
    %scan3A_8 = arith.constant 2 : i32
    return
  }
}

module attributes {stable_mosaic.version = 14 : i64} {
  func.func @body(%arg0: i32, %arg1: memref<512x256xf32, #tpu.memory_space<vmem>>, %arg2: memref<512x256xf32, #tpu.memory_space<vmem>>, %arg3: memref<512x256xf32, #tpu.memory_space<vmem>>, %arg4: memref<256x256xf32, #tpu.memory_space<vmem>>, %arg5: memref<256x256xf32, #tpu.memory_space<vmem>>, %arg6: memref<1x256xf32, #tpu.memory_space<vmem>>, %arg7: memref<512x256xf32, #tpu.memory_space<vmem>>) attributes {dimension_semantics = [#tpu.dimension_semantics<arbitrary>], iteration_bounds = array<i64: 20>, scalar_prefetch = 0 : i64, scratch_operands = 0 : i64, tpu.core_type = #tpu.core_type<tc>, window_params = [{transform_indices = @transform_0, window_bounds = array<i64: 512, 256>}, {transform_indices = @transform_1, window_bounds = array<i64: 512, 256>}, {transform_indices = @transform_2, window_bounds = array<i64: 512, 256>}, {pipeline_mode = #tpu.pipeline_mode<synchronous>, transform_indices = @transform_3, window_bounds = array<i64: 256, 256>}, {pipeline_mode = #tpu.pipeline_mode<synchronous>, transform_indices = @transform_4, window_bounds = array<i64: 256, 256>}, {pipeline_mode = #tpu.pipeline_mode<synchronous>, transform_indices = @transform_5, window_bounds = array<i64: 1, 256>}, {transform_indices = @transform_6, window_bounds = array<i64: 512, 256>}]} {
    %get3A = arith.constant 0 : index
    %get3A_0 = arith.constant 0 : index
    %get3A_1 = vector.load %arg2[%get3A, %get3A_0] : memref<512x256xf32, #tpu.memory_space<vmem>>, vector<512x256xf32>
    %get3A_2 = arith.constant 0 : index
    %get3A_3 = arith.constant 0 : index
    %get3A_4 = vector.load %arg4[%get3A_2, %get3A_3] : memref<256x256xf32, #tpu.memory_space<vmem>>, vector<256x256xf32>
    %dot_general3A = arith.constant dense<0.000000e+00> : vector<512x256xf32>
    %dot_general3A_5 = tpu.matmul %get3A_1, %get3A_4, %dot_general3A {dimension_numbers = #tpu.dot_dimension_numbers<[1], [0], [0], [1], [0, 0, 1, 1], [], []>, transpose_lhs_hint = false} : vector<512x256xf32>, vector<256x256xf32>, vector<512x256xf32> -> vector<512x256xf32>
    %get3A_6 = arith.constant 0 : index
    %get3A_7 = arith.constant 0 : index
    %get3A_8 = vector.load %arg3[%get3A_6, %get3A_7] : memref<512x256xf32, #tpu.memory_space<vmem>>, vector<512x256xf32>
    %get3A_9 = arith.constant 0 : index
    %get3A_10 = arith.constant 0 : index
    %get3A_11 = vector.load %arg5[%get3A_9, %get3A_10] : memref<256x256xf32, #tpu.memory_space<vmem>>, vector<256x256xf32>
    %dot_general3A_12 = arith.constant dense<0.000000e+00> : vector<512x256xf32>
    %dot_general3A_13 = tpu.matmul %get3A_8, %get3A_11, %dot_general3A_12 {dimension_numbers = #tpu.dot_dimension_numbers<[1], [0], [0], [1], [0, 0, 1, 1], [], []>, transpose_lhs_hint = false} : vector<512x256xf32>, vector<256x256xf32>, vector<512x256xf32> -> vector<512x256xf32>
    %add3A = arith.addf %dot_general3A_5, %dot_general3A_13 : vector<512x256xf32>
    %get3A_14 = arith.constant 0 : index
    %get3A_15 = arith.constant 0 : index
    %get3A_16 = vector.load %arg1[%get3A_14, %get3A_15] : memref<512x256xf32, #tpu.memory_space<vmem>>, vector<512x256xf32>
    %add3A_17 = arith.addf %add3A, %get3A_16 : vector<512x256xf32>
    %get3A_18 = arith.constant 0 : index
    %get3A_19 = arith.constant 0 : index
    %get3A_20 = vector.load %arg6[%get3A_18, %get3A_19] : memref<1x256xf32, #tpu.memory_space<vmem>>, vector<1x256xf32>
    %add3A_21 = vector.broadcast %get3A_20 : vector<1x256xf32> to vector<512x256xf32>
    %add3A_22 = arith.addf %add3A_17, %add3A_21 : vector<512x256xf32>
    %swap3A = arith.constant 0 : index
    %swap3A_23 = arith.constant 0 : index
    %swap3A_24 = vector.load %arg7[%swap3A, %swap3A_23] : memref<512x256xf32, #tpu.memory_space<vmem>>, vector<512x256xf32>
    tpu.vector_store %arg7[%swap3A, %swap3A_23], %add3A_22 {strides = array<i32>} : memref<512x256xf32, #tpu.memory_space<vmem>>, vector<512x256xf32>,
    return
  }
  func.func @transform_0(%arg0: i32) -> (i32, i32) {
    %c0_i32 = arith.constant 0 : i32
    %c0_i32_0 = arith.constant 0 : i32
    return %arg0, %c0_i32 : i32, i32
  }
  func.func @transform_1(%arg0: i32) -> (i32, i32) {
    %c0_i32 = arith.constant 0 : i32
    %c0_i32_0 = arith.constant 0 : i32
    return %arg0, %c0_i32 : i32, i32
  }
  func.func @transform_2(%arg0: i32) -> (i32, i32) {
    %c0_i32 = arith.constant 0 : i32
    %c0_i32_0 = arith.constant 0 : i32
    return %arg0, %c0_i32 : i32, i32
  }
  func.func @transform_3(%arg0: i32) -> (i32, i32) {
    %c0_i32 = arith.constant 0 : i32
    %c0_i32_0 = arith.constant 0 : i32
    %c0_i32_1 = arith.constant 0 : i32
    return %c0_i32, %c0_i32_0 : i32, i32
  }
  func.func @transform_4(%arg0: i32) -> (i32, i32) {
    %c0_i32 = arith.constant 0 : i32
    %c0_i32_0 = arith.constant 0 : i32
    %c0_i32_1 = arith.constant 0 : i32
    return %c0_i32, %c0_i32_0 : i32, i32
  }
  func.func @transform_5(%arg0: i32) -> (i32, i32) {
    %c0_i32 = arith.constant 0 : i32
    %c0_i32_0 = arith.constant 0 : i32
    %c0_i32_1 = arith.constant 0 : i32
    return %c0_i32, %c0_i32_0 : i32, i32
  }
  func.func @transform_6(%arg0: i32) -> (i32, i32) {
    %c0_i32 = arith.constant 0 : i32
    %c0_i32_0 = arith.constant 0 : i32
    return %arg0, %c0_i32 : i32, i32
  }
}

</mosaic_0001>

<sc_bundles>
// kernel: kernel.4.cloned.1.call-start
scs
__scs_entry_jumppad:
0x0: {  	(pc) =	sbr.rel $0x88, $3  }
0x1: {  	(tag) =	ssettag $0x0;
	lr =	simm.s32 $0x1  }
0x2: {  	[smem:$0x3F9D] =	sst lr;
	_ =	strace $0xD0000000  }
0x3: {  	_ = 	snop  }
0x4: {  	_ = 	snop  }
0x5: {  	_ = 	snop  }
0x6: {  	_ = 	snop  }
0x7: {  	_ = 	snop  }
__scs_overlays_trampoline_lowered:
0x8: {  	[smem:$0x3FAC] =	sst s0  }
0x9: {  	[smem:$0x3FAD] =	sst s1  }
0xa: {  	[smem:$0x3FAE] =	sst s2  }
0xb: {  	[smem:$0x3FAF] =	sst s3  }
0xc: {  	[smem:$0x3FB0] =	sst s4  }
0xd: {  	[smem:$0x3FB1] =	sst s5  }
0xe: {  	[smem:$0x3FB2] =	sst s6  }
0xf: {  	[smem:$0x3FB3] =	sst s7  }
0x10: {  	[smem:$0x3FB4] =	sst s8  }
0x11: {  	[smem:$0x3FB5] =	sst s9;
	s0 =	simm.s32 @!p0 $0x0  }
0x12: {  	s1 =	sld [smem:$0x3F9B];
	s0 =	simm.s32 @p0 $0x1  }
0x13: {  	[smem:$0x3FB6] =	sst s0;
	s0 =	simm.s32 @!p1 $0x0  }
0x14: {  	s2 =	sld [smem:$0x3F9A];
	s0 =	simm.s32 @p1 $0x1  }
0x15: {  	[smem:$0x3FB7] =	sst s0;
	s0 =	simm.s32 @!p2 $0x0  }
0x16: {  	s3 =	sld [smem:$0x3FDB];
	s0 =	simm.s32 @p2 $0x1  }
0x17: {  	s4 =	simm.s32 $0x1BF5;
	[smem:$0x3FB9] =	sst s0  }
0x18: {  	s0 =	sld [smem:$0x3F9C];
	_ =	swait.ge [sflag:s4], $0x0  }
0x19: {  	s7 =	sld [smem:$0x3F9D]  }
0x1a: {  	s8 =	sadd.s32 $0xFFFFE003, lr  }
0x1b: {  	s9 =	sadd.s32 $0xFFFFFEF7, lr;
	s5 =	simm.s32 $0xFFFFFFFF;
	p2 =	slt.u32 s8, $0xFFFFF086  }
0x1c: {  	p1 =	slt.u32 s9, $0xF7A;
	s5 =	simm.s32 @!p2 $0x0  }
0x1d: {  	s5 =	simm.s32 @p1 $0x1;
	p0 =	seq.s32 s7, s2  }
0x1e: {  	s7 =	smul.u32 @!p0 $0xF7A, s2;
	p2 =	seq.s32 @!p0 s5, $0x0  }
0x1f: {  	s9 =	smul.u32 $0xF7A, s1;
	s8 =	simm.s32 @!p0 $0x1BF5;
	p2 =	por !p2, p0  }
0x20: {  	[sflag:s8] =	ssyncset.s32 @!p0 $0xFFFFF086;
	s6 =	sadd.s32 @!p0 s3, s7;
	s7 =	simm.s32 @!p0 $0x108  }
0x21: {  	s3 =	sadd.s32 s3, s9;
	s6 =	sadd.s32 @!p0 $0x88, s6;
	s7 =	simm.s32 @p2 $0x1082  }
0x22: {  	[simem:s7], [sflag:s8] =	dma.local @!p0 [hbm:s6], $0xF7A  }
0x23: {  	s9 =	sor.u32 $0xD0000000, s2;
	s6 =	simm.s32 $0x108;
	_ =	swait.ge @!p0 [sflag:s8], $0x0  }
0x24: {  	s3 =	sadd.s32 $0x88, s3;
	s6 =	simm.s32 @!p1 $0x1082;
	[sflag:s4] =	ssyncset.s32 $0xFFFFF086  }
0x25: {  	[simem:s6], [sflag:s4] =	dma.local [hbm:s3], $0xF7A  }
0x26: {  	[smem:$0x3F9D] =	sst s1;
	(tag) =	ssettag s2;
	_ =	strace s9  }
0x27: {  	s1 =	sld [smem:$0x3FAD]  }
0x28: {  	s2 =	sld [smem:$0x3FAE]  }
0x29: {  	s4 =	sld [smem:$0x3FB0]  }
0x2a: {  	p0 =	seq.s32 s5, $0x0;
	s5 =	sld [smem:$0x3FB1]  }
0x2b: {  	s6 =	sld [smem:$0x3FB2]  }
0x2c: {  	s7 =	sld [smem:$0x3FB3]  }
0x2d: {  	s3 =	simm.s32 $0x108;
	s8 =	sld [smem:$0x3FB4]  }
0x2e: {  	s3 =	simm.s32 @!p0 $0x1082;
	s9 =	sld [smem:$0x3FB5]  }
0x2f: {  	lr =	sadd.s32 s0, s3;
	s0 =	sld [smem:$0x3FAC]  }
0x30: {  	s3 =	sld [smem:$0x3FAF]  }
0x31: {  	[smem:$0x3FB8] =	sst s10  }
0x32: {  	s10 =	sld [smem:$0x3FB6];
	_ =	sdelay $0x3  }
0x33: {  	p0 =	seq.s32 s10, $0x1;
	s10 =	sld [smem:$0x3FB8];
	_ =	sdelay $0x3  }
0x34: {  	[smem:$0x3FB8] =	sst s10  }
0x35: {  	s10 =	sld [smem:$0x3FB7];
	_ =	sdelay $0x3  }
0x36: {  	p1 =	seq.s32 s10, $0x1;
	s10 =	sld [smem:$0x3FB8];
	_ =	sdelay $0x3  }
0x37: {  	[smem:$0x3FB8] =	sst s10  }
0x38: {  	s10 =	sld [smem:$0x3FB9]  }
0x39: {  	_ = 	snop;
	(pc) =	sbr.ind lr, $3  }
0x3a: {  	_ = 	snop  }
0x3b: {  	_ = 	snop  }
0x3c: {  	p2 =	seq.s32 s10, $0x1;
	s10 =	sld [smem:$0x3FB8]  }
0x3d: {  	_ =	shalt  }
0x3e: {  	_ =	shalt  }
0x3f: {  	_ =	shalt  }
0x40: {  	_ =	shalt  }
0x41: {  	_ =	shalt  }
0x42: {  	_ =	shalt  }
0x43: {  	_ =	shalt  }
0x44: {  	_ =	shalt  }
0x45: {  	_ =	shalt  }
0x46: {  	_ =	shalt  }
0x47: {  	_ =	shalt  }
0x48: {  	_ =	shalt  }
0x49: {  	_ =	shalt  }
0x4a: {  	_ =	shalt  }
0x4b: {  	_ =	shalt  }
0x4c: {  	_ =	shalt  }
0x4d: {  	_ =	shalt  }
0x4e: {  	_ =	shalt  }
0x4f: {  	_ =	shalt  }
0x50: {  	_ =	shalt  }
0x51: {  	_ =	shalt  }
0x52: {  	_ =	shalt  }
0x53: {  	_ =	shalt  }
0x54: {  	_ =	shalt  }
0x55: {  	_ =	shalt  }
0x56: {  	_ =	shalt  }
0x57: {  	_ =	shalt  }
0x58: {  	_ =	shalt  }
0x59: {  	_ =	shalt  }
0x5a: {  	_ =	shalt  }
0x5b: {  	_ =	shalt  }
0x5c: {  	_ =	shalt  }
0x5d: {  	_ =	shalt  }
0x5e: {  	_ =	shalt  }
0x5f: {  	_ =	shalt  }
0x60: {  	_ =	shalt  }
0x61: {  	_ =	shalt  }
0x62: {  	_ =	shalt  }
0x63: {  	_ =	shalt  }
0x64: {  	_ =	shalt  }
0x65: {  	_ =	shalt  }
0x66: {  	_ =	shalt  }
0x67: {  	_ =	shalt  }
0x68: {  	_ =	shalt  }
0x69: {  	_ =	shalt  }
0x6a: {  	_ =	shalt  }
0x6b: {  	_ =	shalt  }
0x6c: {  	_ =	shalt  }
0x6d: {  	_ =	shalt  }
0x6e: {  	_ =	shalt  }
0x6f: {  	_ =	shalt  }
0x70: {  	_ =	shalt  }
0x71: {  	_ =	shalt  }
0x72: {  	_ =	shalt  }
0x73: {  	_ =	shalt  }
0x74: {  	_ =	shalt  }
0x75: {  	_ =	shalt  }
0x76: {  	_ =	shalt  }
0x77: {  	_ =	shalt  }
0x78: {  	_ =	shalt  }
0x79: {  	_ =	shalt  }
0x7a: {  	_ =	shalt  }
0x7b: {  	_ =	shalt  }
0x7c: {  	_ =	shalt  }
0x7d: {  	_ =	shalt  }
0x7e: {  	_ =	shalt  }
0x7f: {  	_ =	shalt  }
0x80: {  	_ =	shalt  }
0x81: {  	_ =	shalt  }
0x82: {  	_ =	shalt  }
0x83: {  	_ =	shalt  }
0x84: {  	_ =	shalt  }
0x85: {  	_ =	shalt  }
0x86: {  	_ =	shalt  }
0x87: {  	_ =	shalt  }
.Lfunc_end0:
.L_simem_size_0:
called_computation_lowered:
.L_overlay_start_0:
0x88: {  	s2 =	sld [smem:$0x3FD9]  }
0x89: {  	s3 =	sld [smem:$0x3FFE];
	_ =	sdelay $0x1  }
0x8a: {  	s1 =	srdreg.scid  }
0x8b: {  	s0 =	sand.u32 $0x1, s1  }
0x8c: {  	s17 =	sshll.u32 s0, $0xA;
	s2 =	sadd.s32 s3, s2  }
0x8d: {  	s2 =	sadd.s32 s2, s17  }
0x8e: {  	[smem:$0x3FC4] =	sst s2  }
0x8f: {  	_ = 	snop  }
0x90: {  	s2 =	sld [smem:$0x3FC9]  }
0x91: {  	s18 =	sld [smem:$0x3FD0];
	(tm) =	ssettm $0x1  }
0x92: {  	s4 =	sld [smem:$0x3FFB];
	_ =	sdelay $0x3  }
0x93: {  	_ =	strace s4  }
0x94: {  	s4 =	sld [smem:$0x3FFC];
	_ =	sdelay $0x3  }
0x95: {  	_ =	strace s4  }
0x96: {  	s4 =	sld [smem:$0x3FFD];
	_ =	sdelay $0x3  }
0x97: {  	_ =	strace s4  }
0x98: {  	_ =	strace $0x8FFFFFFF  }
0x99: {  	s19 =	sld [smem:$0x3FDB];
	_ =	sdelay $0x1  }
0x9a: {  	s5 =	simm.s32 $_scs_section_size  }
0x9b: {  	s6 =	simm.s32 $_size__tile_overlayer_lowered;
	s7 =	simm.s32 $_tile_overlayer_lowered  }
0x9c: {  	s22 =	simm.s32 $0x1BFF;
	s21 =	sshll.u32 s7, $0x1;
	s4 =	sadd.s32 s5, s19  }
0x9d: {  	s8 =	simm.s32 $0x0;
	s20 =	sshll.u32 s6, $0x1;
	s6 =	sadd.s32 s21, s4  }
0x9e: {  	[timem:s8], [sflag:s22] =	dma.local [hbm:s6], s20  }
0x9f: {  	_ =	swait.ge [sflag:s22], s20  }
0xa0: {  	s5 =	ssub.s32 $0x0, s20;
	[sflag:s22] =	ssyncset.done $0x0  }
0xa1: {  	[sflag:s22] =	ssyncadd.s32 s5;
	_ =	sdelay $0x1  }
0xa2: {  	s23 =	simm.s32 $0x1B8B  }
0xa3: {  	_ =	swait.ge [sflag:s23], $0x1  }
0xa4: {  	[sflag:s23] =	ssyncset.done $0x0  }
0xa5: {  	s25 =	simm.s32 $0x1B8E;
	s24 =	sld [smem:$0x3FFE];
	[sflag:s23] =	ssyncadd.s32 $0xFFFFFFFF  }
0xa6: {  	s26 =	simm.s32 $execute0_lowered;
	[smem:$0x3FD2] =	sst s25  }
0xa7: {  	s6 =	sshll.u32 s26, $0x1;
	_ =	strace $0x80000046;
	[dreg:$0x1] =	wrdreg $0xFFFFFFFF  }
0xa8: {  	s28 =	simm.s32 $_size_execute0_lowered;
	s4 =	sadd.s32 s4, s6;
	[dreg:$0x0] =	wrdreg $0x0  }
0xa9: {  	s6 =	sshll.u32 s28, $0x1;
	[dreg:$0x2] =	wrdreg s4  }
0xaa: {  	[dreg:$0x3] =	wrdreg s6  }
0xab: {  	[dreg:$0x4] =	wrdreg $0xC0  }
0xac: {  	_ =	task [dreg:s8], $0x5FFFF  }
0xad: {  	[dreg:$0x1] =	wrdreg $0xFFFFFFFF  }
0xae: {  	[dreg:$0x0] =	wrdreg $0x60  }
0xaf: {  	[dreg:$0x2] =	wrdreg s24  }
0xb0: {  	[dreg:$0x3] =	wrdreg s18  }
0xb1: {  	[dreg:$0x4] =	wrdreg s2  }
0xb2: {  	[dreg:$0x5] =	wrdreg $0x9  }
0xb3: {  	_ =	task.clear_ibuf [dreg:s8], $0x6FFFF;
	_ =	strace $0x90000046  }
0xb4: {  	s29 =	simm.s32 $0x9;
	_ =	strace $0x80000048  }
0xb5: {  	_ =	swait.ge [sflag:s29], $0x1  }
0xb6: {  	[sflag:s29] =	ssyncadd.s32 $0xFFFFFFFF  }
0xb7: {  	_ =	strace $0x90000048  }
0xb8: {  	_ =	sfence  }
0xb9: {  	s30 =	sld [smem:$0x0];
	_ =	sdelay $0x2  }
0xba: {  	s31 =	sshll.u32 s1, $0xD;
	s1 =	sshrl.u32 s1, $0x2  }
0xbb: {  	s3 =	sand.u32 $0x4000, s31;
	s1 =	sadd.s32 s1, s30  }
0xbc: {  	s0 =	sor.u32 s3, s0;
	s1 =	sshll.u32 s1, $0x11  }
0xbd: {  	s0 =	sor.u32 s1, s0  }
0xbe: {  	s0 =	sadd.s32 $0x8F2B, s0  }
0xbf: {  	[sflag:s0] =	ssyncadd.remote.s32 $0x1  }
0xc0: {  	_ =	sfence.sel $0xFFFF  }
0xc1: {  	[dreg:$0x0] =	wrdreg $0xFFFFFFFF;
	(pc) =	sbr.abs _section_cstart, $3  }
0xc2: {  	[dreg:$0x1] =	wrdreg $0xFFFFFFFF  }
0xc3: {  	_ =	task.clear_ibuf [dreg:s8], $0x2FFFF;
	_ =	strace $0x9FFFFFFF  }
0xc4: {  	(tm) =	ssettm $0x7FFFFFFF  }
0xc5: {  	_ =	shalt  }
tec
execute0_lowered:
.L_overlay_start_1:
0x0: {  	(tag) =	ssettag $0x1  }
0x1: {  	v0 =	vimm.s32 $0xEDCBA987;
	v1 =	vimm.f32 $0.0e+00  }
0x2: {  	s1 =	rddreg [dreg:$0x0];
	v3 =	vimm.s32 $0x65432100;
	v5 =	vimm.s32 $0xDCBA9876;
	v6 =	vimm.s32 $0x54321000  }
0x3: {  	s0 =	rddreg [dreg:$0x1];
	v7 =	vimm.s32 $0xBA987654;
	v8 =	vimm.s32 $0xE40000;
	v9 =	vimm.s32 $0x32100000  }
0x4: {  	s2 =	rddreg [dreg:$0x2];
	s3 =	simm.s32 $0x0;
	vm0 =	vmmov $0x3;
	vm1 =	vmmov $0xf;
	vm2 =	vcmask $0x3F30  }
0x5: {  	s26 =	srdreg.scid;
	s7 =	stileid.u32;
	s10 =	simm.s32 $0x16900;
	vm3 =	vmmov $0xffff;
	v2 =	vunpack.c.l.s4.s8 v0;
	v0 =	vimm.f32 $-Inf  }
0x6: {  	s11 =	simm.s32 $0x2;
	s12 =	simm.s32 $0x16100;
	s13 =	simm.s32 $0x15880;
	v3 =	vunpack.c.l.s4.s8 v3;
	v5 =	vunpack.c.l.s4.s8 v5;
	v6 =	vunpack.c.l.s4.s8 v6  }
0x7: {  	s14 =	simm.s32 $0x15000;
	s15 =	simm.s32 $0x1;
	s16 =	simm.s32 $0x17100;
	v7 =	vunpack.c.l.s4.s8 v7;
	v8 =	vunpack.c.l.s2.s4 v8;
	v9 =	vunpack.c.l.s4.s8 v9  }
0x8: {  	s17 =	simm.s32 $0x17900;
	s18 =	simm.s32 $0x18100;
	s19 =	simm.s32 $0x18900;
	v4 =	vunpack.c.0.s8.s32 v2;
	v2 =	vimm.s32 $0x0;
	v5 =	vunpack.c.0.s8.s32 v5  }
0x9: {  	s20 =	simm.s32 $0x19100;
	s21 =	simm.s32 $0x19900;
	s22 =	simm.s32 $0x1A100;
	v3 =	vunpack.c.0.s8.s32 v3;
	v7 =	vunpack.c.0.s8.s32 v7;
	v8 =	vunpack.c.l.s4.s8 v8  }
0xa: {  	s23 =	simm.s32 $0x1A900;
	[smem:$0x7FF] =	sst s3;
	s3 =	sand.u32 $0x1, s26;
	v6 =	vunpack.c.0.s8.s32 v6;
	v4 =	vand.u32 $0xF, v4;
	v5 =	vand.u32 $0xF, v5  }
0xb: {  	s5 =	sadd.s32 $0x1200, s1;
	s8 =	smul.u32 $0xA0, s7;
	s29 =	sadd.s32 $0x6200, s1;
	v7 =	vand.u32 $0xF, v7;
	v8 =	vunpack.c.0.s8.s32 v8;
	v3 =	vcombine.low v3, v4  }
0xc: {  	s1 =	sadd.s32 $0x56200, s1;
	s4 =	ssub.s32 $0x2, s3;
	s3 =	smul.u32 $0xA00, s3;
	v4 =	vlaneseq.u32;
	v5 =	vcombine.low v6, v5;
	v6 =	vunpack.c.0.s8.s32 v9  }
0xd: {  	_ =	strace $0x80000047;
	[dreg:$0x4] =	wrdreg s29;
	s6 =	sshrl.u32 s4, $0x1;
	v9 =	vimm.s32 $0x7060504;
	v8 =	vand.u32 $0x3, v8;
	v10 =	vand.u32 $0x7, v4  }
0xe: {  	[dreg:$0x5] =	wrdreg s1;
	s30 =	ssub.s32 s4, s6;
	s3 =	sadd.s32 s3, s8;
	v11 =	vshrl.u32 v4, $0x3;
	v6 =	vcombine.low v6, v7;
	v7 =	vunpack.c.0.s8.s32 v9  }
0xf: {  	s28 =	simm.s32 $0x0;
	[dreg:$0x6] =	wrdreg s3;
	s1 =	smax.u32 s30, $0x1;
	v12 =	vor.u32 $0x8, v4;
	v9 =	vimm.s32 $0xA0;
	v11 =	vmul.u32 $0x8, v11  }
0x10: {  	s31 =	simm.s32 $0x0;
	s3 =	simm.s32 $0x0;
	[dreg:$0x7] =	wrdreg s1;
	v7 =	vsel vm2, v7, v8;
	vm2 =	vmmov $0xff;
	v8 =	vor.u32 $0x800, v4  }
.LBB2_1:
0x11: {  	[dreg:$0x8] =	wrdreg s3;
	p1 =	por $0x1, $0x1;
	s1 =	simm.s32 $0x0  }
.LBB2_2:
0x12: {  	s3 =	simm.s32 $0x0  }
0x13: {  	s4 =	sand.u32 $0xF800, s3;
	s3 =	sand.u32 $0x380, s3  }
0x14: {  	s3 =	sor.u32 s3, s4  }
0x15: {  	[tilespmem:s3+$0xAC70] =	vst v1  }
0x16: {  	[tilespmem:s3+$0x0] =	vst v0  }
0x17: {  	[tilespmem:s3+$0xA800] =	vst v1  }
0x18: {  	[tilespmem:s3+$0x10] =	vst v0  }
0x19: {  	[tilespmem:s3+$0xA810] =	vst v1  }
0x1a: {  	[tilespmem:s3+$0x20] =	vst v0  }
0x1b: {  	[tilespmem:s3+$0xA820] =	vst v1  }
0x1c: {  	[tilespmem:s3+$0x30] =	vst v0  }
0x1d: {  	[tilespmem:s3+$0xA830] =	vst v1  }
0x1e: {  	[tilespmem:s3+$0x40] =	vst v0  }
0x1f: {  	[tilespmem:s3+$0xA840] =	vst v1  }
0x20: {  	[tilespmem:s3+$0x50] =	vst v0  }
0x21: {  	[tilespmem:s3+$0xA850] =	vst v1  }
0x22: {  	[tilespmem:s3+$0x60] =	vst v0  }
0x23: {  	[tilespmem:s3+$0xA860] =	vst v1  }
0x24: {  	[tilespmem:s3+$0x70] =	vst v0  }
0x25: {  	[tilespmem:s3+$0xA870] =	vst v1  }
0x26: {  	[tilespmem:s3+$0x400] =	vst v0  }
0x27: {  	[tilespmem:s3+$0xAC00] =	vst v1  }
0x28: {  	[tilespmem:s3+$0x410] =	vst v0  }
0x29: {  	[tilespmem:s3+$0xAC10] =	vst v1  }
0x2a: {  	[tilespmem:s3+$0x420] =	vst v0  }
0x2b: {  	[tilespmem:s3+$0xAC20] =	vst v1  }
0x2c: {  	[tilespmem:s3+$0x430] =	vst v0  }
0x2d: {  	[tilespmem:s3+$0xAC30] =	vst v1  }
0x2e: {  	[tilespmem:s3+$0x440] =	vst v0  }
0x2f: {  	[tilespmem:s3+$0xAC40] =	vst v1  }
0x30: {  	[tilespmem:s3+$0x450] =	vst v0  }
0x31: {  	[tilespmem:s3+$0xAC50] =	vst v1  }
0x32: {  	p0 =	por p1, p1;
	s6 =	simm.s32 $0x100;
	s4 =	simm.s32 $0x80;
	[tilespmem:s3+$0x460] =	vst v0  }
0x33: {  	s9 =	sand.u32 $0xF800, s6;
	s6 =	simm.s32 $0x200;
	s24 =	sand.u32 $0x380, s4;
	[tilespmem:s3+$0xAC60] =	vst v1  }
.LBB2_3:
0x34: {  	p1 =	seq.s32 s6, $0xA000;
	[tilespmem:s3+$0x470] =	vst v0;
	s3 =	sor.u32 s24, s9  }
0x35: {  	[tilespmem:s3+$0xAC70] =	vst v1  }
0x36: {  	[tilespmem:s3+$0x0] =	vst v0  }
0x37: {  	[tilespmem:s3+$0xA800] =	vst v1  }
0x38: {  	[tilespmem:s3+$0x10] =	vst v0  }
0x39: {  	[tilespmem:s3+$0xA810] =	vst v1  }
0x3a: {  	[tilespmem:s3+$0x20] =	vst v0  }
0x3b: {  	[tilespmem:s3+$0xA820] =	vst v1  }
0x3c: {  	[tilespmem:s3+$0x30] =	vst v0  }
0x3d: {  	[tilespmem:s3+$0xA830] =	vst v1  }
0x3e: {  	[tilespmem:s3+$0x40] =	vst v0  }
0x3f: {  	[tilespmem:s3+$0xA840] =	vst v1  }
0x40: {  	[tilespmem:s3+$0x50] =	vst v0  }
0x41: {  	[tilespmem:s3+$0xA850] =	vst v1  }
0x42: {  	[tilespmem:s3+$0x60] =	vst v0  }
0x43: {  	[tilespmem:s3+$0xA860] =	vst v1  }
0x44: {  	[tilespmem:s3+$0x70] =	vst v0  }
0x45: {  	[tilespmem:s3+$0xA870] =	vst v1  }
0x46: {  	[tilespmem:s3+$0x400] =	vst v0  }
0x47: {  	[tilespmem:s3+$0xAC00] =	vst v1  }
0x48: {  	[tilespmem:s3+$0x410] =	vst v0  }
0x49: {  	[tilespmem:s3+$0xAC10] =	vst v1  }
0x4a: {  	[tilespmem:s3+$0x420] =	vst v0  }
0x4b: {  	[tilespmem:s3+$0xAC20] =	vst v1  }
0x4c: {  	[tilespmem:s3+$0x430] =	vst v0  }
0x4d: {  	[tilespmem:s3+$0xAC30] =	vst v1  }
0x4e: {  	[tilespmem:s3+$0x440] =	vst v0  }
.Ltmp0:
0x4f: {  	[tilespmem:s3+$0xAC40] =	vst v1;
	(pc) =	sbr.rel @!p1 .LBB2_3-.Ltmp0, $4  }
0x50: {  	[tilespmem:s3+$0x450] =	vst v0  }
0x51: {  	[tilespmem:s3+$0xAC50] =	vst v1  }
0x52: {  	s4 =	sadd.s32 $0x80, s4;
	[tilespmem:s3+$0x460] =	vst v0  }
0x53: {  	s9 =	sand.u32 $0xF800, s6;
	s6 =	sadd.s32 $0x100, s6;
	s24 =	sand.u32 $0x380, s4;
	[tilespmem:s3+$0xAC60] =	vst v1  }
0x54: {  	s4 =	sor.u32 s24, s9;
	[tilespmem:s3+$0x470] =	vst v0  }
0x55: {  	[tilespmem:s4+$0xAC70] =	vst v1  }
0x56: {  	[tilespmem:s4+$0x0] =	vst v0  }
0x57: {  	[tilespmem:s4+$0xA800] =	vst v1  }
0x58: {  	[tilespmem:s4+$0x10] =	vst v0  }
0x59: {  	[tilespmem:s4+$0xA810] =	vst v1  }
0x5a: {  	[tilespmem:s4+$0x20] =	vst v0  }
0x5b: {  	[tilespmem:s4+$0xA820] =	vst v1  }
0x5c: {  	[tilespmem:s4+$0x30] =	vst v0  }
0x5d: {  	[tilespmem:s4+$0xA830] =	vst v1  }
0x5e: {  	[tilespmem:s4+$0x40] =	vst v0  }
0x5f: {  	[tilespmem:s4+$0xA840] =	vst v1  }
0x60: {  	[tilespmem:s4+$0x50] =	vst v0  }
0x61: {  	[tilespmem:s4+$0xA850] =	vst v1  }
0x62: {  	[tilespmem:s4+$0x60] =	vst v0  }
0x63: {  	[tilespmem:s4+$0xA860] =	vst v1  }
0x64: {  	[tilespmem:s4+$0x70] =	vst v0  }
0x65: {  	[tilespmem:s4+$0xA870] =	vst v1  }
0x66: {  	[tilespmem:s4+$0x400] =	vst v0  }
0x67: {  	[tilespmem:s4+$0xAC00] =	vst v1  }
0x68: {  	[tilespmem:s4+$0x410] =	vst v0  }
0x69: {  	[tilespmem:s4+$0xAC10] =	vst v1  }
0x6a: {  	[tilespmem:s4+$0x420] =	vst v0  }
0x6b: {  	[tilespmem:s4+$0xAC20] =	vst v1  }
0x6c: {  	[tilespmem:s4+$0x430] =	vst v0  }
0x6d: {  	[tilespmem:s4+$0xAC30] =	vst v1  }
0x6e: {  	[tilespmem:s4+$0x440] =	vst v0  }
0x6f: {  	[tilespmem:s4+$0xAC40] =	vst v1  }
.Ltmp1:
0x70: {  	[tilespmem:s4+$0x450] =	vst v0;
	(pc) =	sbr.rel .LBB2_5-.Ltmp1, $4  }
0x71: {  	[tilespmem:s4+$0xAC50] =	vst v1  }
0x72: {  	s30 =	rddreg [dreg:$0x6];
	[tilespmem:s4+$0x460] =	vst v0  }
0x73: {  	[tilespmem:s4+$0xAC60] =	vst v1;
	s26 =	sadd.s32 s1, s30  }
0x74: {  	s29 =	simm.s32 $0x0;
	[tilespmem:s4+$0x470] =	vst v0;
	v13 =	vmov s26  }
.LBB2_11:
0x75: {  	s29 =	sadd.s32 $0x1, s29  }
0x76: {  	p1 =	sne.s32 s29, $0x50  }
.Ltmp2:
0x77: {  	_ = 	snop;
	(pc) =	sbr.rel @!p1 .LBB2_12-.Ltmp2, $1  }
0x78: {  	_ =	sdelay $0x3  }
.LBB2_5:
0x79: {  	s1 =	smul.u32 $0xFA, s29;
	_ =	sdelay $0x1  }
0x7a: {  	s3 =	sadd.s32 s5, s1  }
0x7b: {  	[tilespmem:s10], [sflag:$0x2] =	stream.linear.gather [hbm4b:s3+s28], $0x7D0, $0x38;
	[tilespmem:$0x1B100] =	vst v63  }
0x7c: {  	_ =	swait.ge [sflag:s11], $0x7D0  }
0x7d: {  	[sflag:s11] =	ssyncset.done $0x0  }
0x7e: {  	s1 =	sadd.s32 s0, s1;
	[sflag:s11] =	ssyncadd.s32 $0xFFFFF830  }
0x7f: {  	[tilespmem:s12], [sflag:$0x2] =	stream.linear.gather [hbm4b:s1+s28], $0x7D0, $0x38;
	[tilespmem:$0x1B100] =	vst v63  }
0x80: {  	_ =	swait.ge [sflag:s11], $0x7D0  }
0x81: {  	[sflag:s11] =	ssyncset.done $0x0  }
0x82: {  	s30 =	simm.s32 $0x0;
	[sflag:s11] =	ssyncadd.s32 $0xFFFFF830  }
0x83: {  	v14 =	vld [tilespmem:s30+$0x16100];
	_ =	sdelay $0x4  }
0x84: {  	v14 =	vsub.s32 v14, v13  }
0x85: {  	vm5 =	vlt.u32 v14, $0xA0  }
0x86: {  	v15 =	vsel vm5, $0x1, v2  }
0x87: {  	v16 =	vperm.xlane v15, v3  }
0x88: {  	vm4 =	veq.s32 v4, $0x0  }
0x89: {  	v16 =	vsel vm4, $0x0, v16  }
0x8a: {  	v15 =	vadd.s32 v15, v16  }
0x8b: {  	v16 =	vperm.xlane v15, v5;
	_ =	sdelay $0x1  }
0x8c: {  	v16 =	vsel vm0, $0x0, v16  }
0x8d: {  	v15 =	vadd.s32 v16, v15  }
0x8e: {  	v16 =	vperm.xlane v15, v6;
	_ =	sdelay $0x1  }
0x8f: {  	v16 =	vsel vm1, $0x0, v16  }
0x90: {  	v15 =	vadd.s32 v16, v15  }
0x91: {  	v62 =	vmov s28;
	v17 =	vperm.xlane v15, v7  }
0x92: {  	v16 =	vadd.s32 $0xFFFFFFFF, v62  }
0x93: {  	v16 =	vbroadcast v16, $0x0;
	v17 =	vsel vm2, $0x0, v17  }
0x94: {  	v15 =	vadd.s32 v17, v15  }
0x95: {  	v16 =	vadd.s32 v15, v16;
	(v2sf) =	vpush v15, $0xF  }
0x96: {  	v63 =	vld [tilespmem:s30+$0x16900];
	v16 =	vsel vm5, v16, v8;
	_ =	sdelay $0x4  }
0x97: {  	[tilespmem:v16+s13+$0x0] =	vst.idx.msk $0xffff, v63  }
0x98: {  	s4 =	simm.s32 $0x80;
	s3 =	simm.s32 $0x10;
	s1 =	simm.s32 $0x0;
	[tilespmem:v16+s14+$0x0] =	vst.idx.msk $0xffff, v14  }
.LBB2_6:
0x99: {  	p1 =	sne.s32 s4, $0x1F00;
	v14 =	vld [tilespmem:s3+$0x16100];
	_ =	sdelay $0x4  }
0x9a: {  	v14 =	vsub.s32 v14, v13  }
0x9b: {  	vm5 =	vlt.u32 v14, $0xA0  }
0x9c: {  	v15 =	vsel vm5, $0x1, v2;
	s6 =	spop (v2sf)  }
0x9d: {  	v16 =	vperm.xlane v15, v3;
	s1 =	sadd.s32 s1, s6  }
0x9e: {  	v17 =	vmov s1  }
0x9f: {  	v16 =	vsel vm4, $0x0, v16;
	v17 =	vadd.s32 $0xFFFFFFFF, v17  }
0xa0: {  	v15 =	vadd.s32 v15, v16;
	v16 =	vbroadcast v17, $0x0  }
0xa1: {  	v17 =	vperm.xlane v15, v5;
	_ =	sdelay $0x1  }
0xa2: {  	v17 =	vsel vm0, $0x0, v17  }
0xa3: {  	v15 =	vadd.s32 v17, v15  }
0xa4: {  	v17 =	vperm.xlane v15, v6;
	_ =	sdelay $0x1  }
0xa5: {  	v17 =	vsel vm1, $0x0, v17  }
0xa6: {  	v15 =	vadd.s32 v17, v15  }
0xa7: {  	v17 =	vperm.xlane v15, v7;
	_ =	sdelay $0x1  }
0xa8: {  	v17 =	vsel vm2, $0x0, v17  }
0xa9: {  	v15 =	vadd.s32 v17, v15  }
0xaa: {  	v16 =	vadd.s32 v15, v16;
	(v2sf) =	vpush v15, $0xF  }
0xab: {  	v15 =	vld [tilespmem:s3+$0x16900];
	v16 =	vsel vm5, v16, v8;
	_ =	sdelay $0x1  }
.Ltmp3:
0xac: {  	(pc) =	sbr.rel @p1 .LBB2_6-.Ltmp3, $3  }
0xad: {  	_ =	sdelay $0x1  }
0xae: {  	[tilespmem:v16+s13+$0x0] =	vst.idx.msk $0xffff, v15  }
0xaf: {  	s3 =	sshra.s32 s4, $0x2;
	s4 =	sadd.s32 $0x40, s4;
	[tilespmem:v16+s14+$0x0] =	vst.idx.msk $0xffff, v14  }
0xb0: {  	v14 =	vld [tilespmem:s3+$0x16100];
	_ =	sdelay $0x4  }
0xb1: {  	v14 =	vsub.s32 v14, v13  }
0xb2: {  	vm4 =	vlt.u32 v14, $0xA0  }
0xb3: {  	v15 =	vsel vm4, $0x1, v2  }
0xb4: {  	v16 =	vperm.xlane v15, v3  }
0xb5: {  	vm5 =	veq.s32 v4, $0x0  }
0xb6: {  	v16 =	vsel vm5, $0x0, v16  }
0xb7: {  	v15 =	vadd.s32 v15, v16  }
0xb8: {  	v16 =	vperm.xlane v15, v5;
	_ =	sdelay $0x1  }
0xb9: {  	v16 =	vsel vm0, $0x0, v16  }
0xba: {  	v15 =	vadd.s32 v16, v15  }
0xbb: {  	v16 =	vperm.xlane v15, v6;
	_ =	sdelay $0x1  }
0xbc: {  	v16 =	vsel vm1, $0x0, v16  }
0xbd: {  	v15 =	vadd.s32 v16, v15  }
0xbe: {  	v16 =	vperm.xlane v15, v7;
	_ =	sdelay $0x1  }
0xbf: {  	v16 =	vsel vm2, $0x0, v16  }
0xc0: {  	v15 =	vadd.s32 v16, v15  }
0xc1: {  	(v2sf) =	vpush v15, $0xF;
	_ =	sdelay $0x7  }
0xc2: {  	s4 =	spop (v2sf)  }
0xc3: {  	s1 =	sadd.s32 s1, s4  }
0xc4: {  	v62 =	vmov s1  }
0xc5: {  	v16 =	vadd.s32 $0xFFFFFFFF, v62  }
0xc6: {  	v16 =	vbroadcast v16, $0x0;
	_ =	sdelay $0x1  }
0xc7: {  	v15 =	vadd.s32 v15, v16  }
0xc8: {  	v63 =	vld [tilespmem:s3+$0x16900];
	v15 =	vsel vm4, v15, v8;
	s9 =	spop (v2sf)  }
0xc9: {  	s1 =	sadd.s32 s1, s9  }
0xca: {  	s3 =	sadd.s32 $0x3F, s1  }
0xcb: {  	s24 =	sand.u32 $0x3F, s3  }
0xcc: {  	s6 =	sshra.s32 s3, $0x1F;
	p1 =	slt.s32 s3, $0x1;
	p2 =	sne.s32 s24, $0x0  }
0xcd: {  	[tilespmem:v15+s13+$0x0] =	vst.idx.msk $0xffff, v63;
	s25 =	sshrl.u32 s6, $0x1A;
	p1 =	por !p1, !p2  }
0xce: {  	s4 =	simm.s32 $0x1;
	[tilespmem:v15+s14+$0x0] =	vst.idx.msk $0xffff, v14;
	s3 =	sadd.s32 s25, s3;
	p1 =	por !p1, !p1  }
0xcf: {  	[tilespmem:s1+$0x15880] =	vst v2;
	s3 =	sshra.s32 s3, $0x6;
	s4 =	simm.s32 @!p1 $0x0  }
0xd0: {  	[tilespmem:s1+$0x15000] =	vst v9;
	s30 =	ssub.s32 s3, s4  }
0xd1: {  	[tilespmem:s1+$0x15890] =	vst v2;
	p1 =	slt.s32 s30, $0x1  }
.Ltmp4:
0xd2: {  	[tilespmem:s1+$0x15010] =	vst v9;
	(pc) =	sbr.rel @p1 .LBB2_11-.Ltmp4, $4  }
0xd3: {  	[tilespmem:s1+$0x158A0] =	vst v2  }
0xd4: {  	[tilespmem:s1+$0x15020] =	vst v9  }
0xd5: {  	[tilespmem:s1+$0x158B0] =	vst v2  }
0xd6: {  	[tilespmem:s1+$0x15030] =	vst v9;
	s3 =	simm.s32 $0x15000;
	s4 =	simm.s32 $0x0  }
.LBB2_8:
0xd7: {  	s1 =	sshll.u32 s4, $0x6  }
0xd8: {  	v14 =	vld [tilespmem:s1+$0x15880];
	_ =	sdelay $0x4  }
0xd9: {  	v15 =	vshll.u32 v14, $0x1  }
0xda: {  	v14 =	vand.u32 $0x7, v14;
	v15 =	vand.u32 $0xFFFFFFF0, v15  }
0xdb: {  	v14 =	vor.u32 v14, v15  }
0xdc: {  	v15 =	vperm.xlane v14, v10;
	_ =	sdelay $0x1  }
0xdd: {  	v14 =	vperm.xlane v14, v12;
	v15 =	vadd.s32 v11, v15;
	_ =	sdelay $0x1  }
0xde: {  	v14 =	vadd.s32 v11, v14;
	_ =	sdelay $0x2  }
0xdf: {  	[tilespmem:s16], [sflag:$0x1] =	stream.indirect_vreg.gather [hbm4b:s2+s31], $0x80, v15, vm3, $0xb8;
	[tilespmem:$0x1B100] =	vst v63  }
0xe0: {  	_ = 	snop  }
0xe1: {  	[tilespmem:s17], [sflag:$0x1] =	stream.indirect_vreg.gather [hbm4b:s2+s31], $0x80, v14, vm3, $0xb8;
	[tilespmem:$0x1B100] =	vst v63  }
0xe2: {  	v14 =	vld [tilespmem:s1+$0x15890];
	_ =	sdelay $0x4  }
0xe3: {  	v15 =	vshll.u32 v14, $0x1  }
0xe4: {  	v14 =	vand.u32 $0x7, v14;
	v15 =	vand.u32 $0xFFFFFFF0, v15  }
0xe5: {  	v14 =	vor.u32 v14, v15  }
0xe6: {  	v15 =	vperm.xlane v14, v10;
	_ =	sdelay $0x1  }
0xe7: {  	v14 =	vperm.xlane v14, v12;
	v15 =	vadd.s32 v11, v15;
	_ =	sdelay $0x1  }
0xe8: {  	v14 =	vadd.s32 v11, v14;
	_ =	sdelay $0x2  }
0xe9: {  	[tilespmem:s18], [sflag:$0x1] =	stream.indirect_vreg.gather [hbm4b:s2+s31], $0x80, v15, vm3, $0xb8;
	[tilespmem:$0x1B100] =	vst v63  }
0xea: {  	_ = 	snop  }
0xeb: {  	[tilespmem:s19], [sflag:$0x1] =	stream.indirect_vreg.gather [hbm4b:s2+s31], $0x80, v14, vm3, $0xb8;
	[tilespmem:$0x1B100] =	vst v63  }
0xec: {  	v14 =	vld [tilespmem:s1+$0x158A0];
	_ =	sdelay $0x4  }
0xed: {  	v15 =	vshll.u32 v14, $0x1  }
0xee: {  	v14 =	vand.u32 $0x7, v14;
	v15 =	vand.u32 $0xFFFFFFF0, v15  }
0xef: {  	v14 =	vor.u32 v14, v15  }
0xf0: {  	v15 =	vperm.xlane v14, v10;
	_ =	sdelay $0x1  }
0xf1: {  	v14 =	vperm.xlane v14, v12;
	v15 =	vadd.s32 v11, v15;
	_ =	sdelay $0x1  }
0xf2: {  	v14 =	vadd.s32 v11, v14;
	_ =	sdelay $0x2  }
0xf3: {  	[tilespmem:s20], [sflag:$0x1] =	stream.indirect_vreg.gather [hbm4b:s2+s31], $0x80, v15, vm3, $0xb8;
	[tilespmem:$0x1B100] =	vst v63  }
0xf4: {  	_ = 	snop  }
0xf5: {  	[tilespmem:s21], [sflag:$0x1] =	stream.indirect_vreg.gather [hbm4b:s2+s31], $0x80, v14, vm3, $0xb8;
	[tilespmem:$0x1B100] =	vst v63  }
0xf6: {  	v14 =	vld [tilespmem:s1+$0x158B0];
	_ =	sdelay $0x4  }
0xf7: {  	v15 =	vshll.u32 v14, $0x1  }
0xf8: {  	v14 =	vand.u32 $0x7, v14;
	v15 =	vand.u32 $0xFFFFFFF0, v15  }
0xf9: {  	v14 =	vor.u32 v14, v15  }
0xfa: {  	v15 =	vperm.xlane v14, v10;
	_ =	sdelay $0x1  }
0xfb: {  	v14 =	vperm.xlane v14, v12;
	v15 =	vadd.s32 v11, v15;
	_ =	sdelay $0x1  }
0xfc: {  	v14 =	vadd.s32 v11, v14;
	_ =	sdelay $0x2  }
0xfd: {  	[tilespmem:s22], [sflag:$0x1] =	stream.indirect_vreg.gather [hbm4b:s2+s31], $0x80, v15, vm3, $0xb8;
	[tilespmem:$0x1B100] =	vst v63  }
0xfe: {  	_ = 	snop  }
0xff: {  	[tilespmem:s23], [sflag:$0x1] =	stream.indirect_vreg.gather [hbm4b:s2+s31], $0x80, v14, vm3, $0xb8;
	[tilespmem:$0x1B100] =	vst v63  }
0x100: {  	_ =	swait.ge [sflag:s15], $0x4000  }
0x101: {  	[sflag:s15] =	ssyncset.done $0x0  }
0x102: {  	[sflag:s15] =	ssyncadd.s32 $0xFFFFC000  }
0x103: {  	v14 =	vld [tilespmem:s3+$0x0];
	_ =	sdelay $0x4  }
0x104: {  	(v2sf) =	vpush v14, $0x0;
	_ =	sdelay $0xe  }
0x105: {  	s8 =	sand.u32 $0x380, s31;
	s6 =	spop (v2sf)  }
0x106: {  	s9 =	sand.u32 $0x3800, s31;
	s24 =	sshll.u32 s6, $0x8;
	s6 =	sshll.u32 s6, $0x7  }
0x107: {  	s1 =	sor.u32 s8, s9;
	s25 =	sand.u32 $0xFFFFF800, s24;
	s6 =	sand.u32 $0x380, s6  }
0x108: {  	v14 =	vld [tilespmem:s1+$0x17100];
	s9 =	sor.u32 s6, s25  }
0x109: {  	v15 =	vld [tilespmem:s9+$0x0]  }
0x10a: {  	v16 =	vld [tilespmem:s9+$0xA800];
	_ =	sdelay $0x4  }
0x10b: {  	v15 =	vmax.f32 v15, v14;
	v14 =	vadd.f32 v16, v14  }
0x10c: {  	v17 =	vld [tilespmem:s9+$0x10];
	[tilespmem:s9+$0x0] =	vst v15  }
0x10d: {  	s1 =	sadd.s32 $0x17100, s1;
	v15 =	vld [tilespmem:s9+$0xA810];
	[tilespmem:s9+$0xA800] =	vst v14  }
0x10e: {  	v14 =	vld [tilespmem:s1+$0x10];
	_ =	sdelay $0x4  }
0x10f: {  	v16 =	vmax.f32 v17, v14;
	v14 =	vadd.f32 v15, v14  }
0x110: {  	v17 =	vld [tilespmem:s9+$0x20];
	[tilespmem:s9+$0x10] =	vst v16  }
0x111: {  	v15 =	vld [tilespmem:s9+$0xA820];
	[tilespmem:s9+$0xA810] =	vst v14  }
0x112: {  	v14 =	vld [tilespmem:s1+$0x20];
	_ =	sdelay $0x4  }
0x113: {  	v16 =	vmax.f32 v17, v14;
	v14 =	vadd.f32 v15, v14  }
0x114: {  	v15 =	vld [tilespmem:s9+$0x30];
	[tilespmem:s9+$0x20] =	vst v16  }
0x115: {  	v16 =	vld [tilespmem:s9+$0xA830];
	[tilespmem:s9+$0xA820] =	vst v14  }
0x116: {  	v14 =	vld [tilespmem:s1+$0x30];
	_ =	sdelay $0x4  }
0x117: {  	v15 =	vmax.f32 v15, v14;
	v14 =	vadd.f32 v16, v14  }
0x118: {  	v16 =	vld [tilespmem:s9+$0xA840];
	[tilespmem:s9+$0x30] =	vst v15  }
0x119: {  	v15 =	vld [tilespmem:s9+$0x40];
	[tilespmem:s9+$0xA830] =	vst v14  }
0x11a: {  	v14 =	vld [tilespmem:s1+$0x40];
	_ =	sdelay $0x4  }
0x11b: {  	v15 =	vmax.f32 v15, v14;
	v14 =	vadd.f32 v16, v14  }
0x11c: {  	v16 =	vld [tilespmem:s9+$0xA850];
	[tilespmem:s9+$0x40] =	vst v15  }
0x11d: {  	v15 =	vld [tilespmem:s9+$0x50];
	[tilespmem:s9+$0xA840] =	vst v14  }
0x11e: {  	v14 =	vld [tilespmem:s1+$0x50];
	_ =	sdelay $0x4  }
0x11f: {  	v15 =	vmax.f32 v15, v14;
	v14 =	vadd.f32 v16, v14  }
0x120: {  	v16 =	vld [tilespmem:s9+$0xA860];
	[tilespmem:s9+$0x50] =	vst v15  }
0x121: {  	v15 =	vld [tilespmem:s9+$0x60];
	[tilespmem:s9+$0xA850] =	vst v14  }
0x122: {  	v14 =	vld [tilespmem:s1+$0x60];
	_ =	sdelay $0x4  }
0x123: {  	v15 =	vmax.f32 v15, v14;
	v14 =	vadd.f32 v16, v14  }
0x124: {  	[tilespmem:s9+$0x60] =	vst v15;
	v15 =	vld [tilespmem:s9+$0x70]  }
0x125: {  	[tilespmem:s9+$0xA860] =	vst v14;
	v14 =	vld [tilespmem:s9+$0xA870]  }
0x126: {  	v16 =	vld [tilespmem:s1+$0x70];
	_ =	sdelay $0x4  }
0x127: {  	v15 =	vmax.f32 v15, v16;
	v14 =	vadd.f32 v14, v16  }
0x128: {  	v16 =	vld [tilespmem:s9+$0xAC00];
	[tilespmem:s9+$0x70] =	vst v15  }
0x129: {  	v15 =	vld [tilespmem:s9+$0x400];
	[tilespmem:s9+$0xA870] =	vst v14  }
0x12a: {  	v14 =	vld [tilespmem:s1+$0x400];
	_ =	sdelay $0x4  }
0x12b: {  	v15 =	vmax.f32 v15, v14;
	v14 =	vadd.f32 v16, v14  }
0x12c: {  	v16 =	vld [tilespmem:s9+$0xAC10];
	[tilespmem:s9+$0x400] =	vst v15  }
0x12d: {  	v15 =	vld [tilespmem:s9+$0x410];
	[tilespmem:s9+$0xAC00] =	vst v14  }
0x12e: {  	v14 =	vld [tilespmem:s1+$0x410];
	_ =	sdelay $0x4  }
0x12f: {  	v15 =	vmax.f32 v15, v14;
	v14 =	vadd.f32 v16, v14  }
0x130: {  	v16 =	vld [tilespmem:s9+$0xAC20];
	[tilespmem:s9+$0x410] =	vst v15  }
0x131: {  	v15 =	vld [tilespmem:s9+$0x420];
	[tilespmem:s9+$0xAC10] =	vst v14  }
0x132: {  	v14 =	vld [tilespmem:s1+$0x420];
	_ =	sdelay $0x4  }
0x133: {  	v15 =	vmax.f32 v15, v14;
	v14 =	vadd.f32 v16, v14  }
0x134: {  	v16 =	vld [tilespmem:s9+$0xAC30];
	[tilespmem:s9+$0x420] =	vst v15  }
0x135: {  	v15 =	vld [tilespmem:s9+$0x430];
	[tilespmem:s9+$0xAC20] =	vst v14  }
0x136: {  	v14 =	vld [tilespmem:s1+$0x430];
	_ =	sdelay $0x4  }
0x137: {  	v15 =	vmax.f32 v15, v14;
	v14 =	vadd.f32 v16, v14  }
0x138: {  	v16 =	vld [tilespmem:s9+$0xAC40];
	[tilespmem:s9+$0x430] =	vst v15  }
0x139: {  	v15 =	vld [tilespmem:s9+$0x440];
	[tilespmem:s9+$0xAC30] =	vst v14  }
0x13a: {  	v14 =	vld [tilespmem:s1+$0x440];
	_ =	sdelay $0x4  }
0x13b: {  	v15 =	vmax.f32 v15, v14;
	v14 =	vadd.f32 v16, v14  }
0x13c: {  	v16 =	vld [tilespmem:s9+$0xAC50];
	[tilespmem:s9+$0x440] =	vst v15  }
0x13d: {  	v15 =	vld [tilespmem:s9+$0x450];
	[tilespmem:s9+$0xAC40] =	vst v14  }
0x13e: {  	v14 =	vld [tilespmem:s1+$0x450];
	_ =	sdelay $0x4  }
0x13f: {  	v15 =	vmax.f32 v15, v14;
	v14 =	vadd.f32 v16, v14  }
0x140: {  	v16 =	vld [tilespmem:s9+$0xAC60];
	[tilespmem:s9+$0x450] =	vst v15  }
0x141: {  	v15 =	vld [tilespmem:s9+$0x460];
	[tilespmem:s9+$0xAC50] =	vst v14  }
0x142: {  	v14 =	vld [tilespmem:s1+$0x460];
	_ =	sdelay $0x4  }
0x143: {  	v15 =	vmax.f32 v15, v14;
	v16 =	vadd.f32 v16, v14  }
0x144: {  	v14 =	vld [tilespmem:s9+$0x470];
	[tilespmem:s9+$0x460] =	vst v15  }
0x145: {  	v15 =	vld [tilespmem:s9+$0xAC70];
	[tilespmem:s9+$0xAC60] =	vst v16  }
0x146: {  	s24 =	simm.s32 $0x0;
	s25 =	simm.s32 $0x100;
	v16 =	vld [tilespmem:s1+$0x470];
	s1 =	smov.u32 s3  }
.LBB2_9:
0x147: {  	_ =	sdelay $0x3  }
0x148: {  	p1 =	sne.s32 s25, $0x3F00;
	s24 =	sadd.s32 $0x80, s24;
	s1 =	sadd.s32 $0x1, s1;
	v14 =	vmax.f32 v14, v16;
	v15 =	vadd.f32 v15, v16  }
0x149: {  	s6 =	smov.u32 s25;
	s25 =	sadd.s32 $0x100, s25;
	[tilespmem:s9+$0x470] =	vst v14  }
0x14a: {  	[tilespmem:s9+$0xAC70] =	vst v15  }
0x14b: {  	v14 =	vld [tilespmem:s1+$0x0];
	_ =	sdelay $0x4  }
0x14c: {  	(v2sf) =	vpush v14, $0x0;
	_ =	sdelay $0xe  }
0x14d: {  	s9 =	sand.u32 $0x380, s24;
	s7 =	spop (v2sf)  }
0x14e: {  	s6 =	sand.u32 $0x3800, s6;
	s8 =	sshll.u32 s7, $0x8;
	s7 =	sshll.u32 s7, $0x7  }
0x14f: {  	s6 =	sor.u32 s9, s6;
	s8 =	sand.u32 $0xFFFFF800, s8;
	s7 =	sand.u32 $0x380, s7  }
0x150: {  	v14 =	vld [tilespmem:s6+$0x17100];
	s9 =	sor.u32 s7, s8  }
0x151: {  	v15 =	vld [tilespmem:s9+$0x0]  }
0x152: {  	v16 =	vld [tilespmem:s9+$0xA800];
	_ =	sdelay $0x4  }
0x153: {  	v15 =	vmax.f32 v15, v14;
	v14 =	vadd.f32 v16, v14;
	v16 =	vld [tilespmem:s9+$0x10]  }
0x154: {  	s6 =	sadd.s32 $0x17100, s6;
	[tilespmem:s9+$0x0] =	vst v15;
	v15 =	vld [tilespmem:s9+$0xA810]  }
0x155: {  	[tilespmem:s9+$0xA800] =	vst v14  }
0x156: {  	v14 =	vld [tilespmem:s6+$0x10];
	_ =	sdelay $0x4  }
0x157: {  	v16 =	vmax.f32 v16, v14;
	v14 =	vadd.f32 v15, v14;
	v15 =	vld [tilespmem:s9+$0x20]  }
0x158: {  	[tilespmem:s9+$0x10] =	vst v16;
	v16 =	vld [tilespmem:s9+$0xA820]  }
0x159: {  	[tilespmem:s9+$0xA810] =	vst v14  }
0x15a: {  	v14 =	vld [tilespmem:s6+$0x20];
	_ =	sdelay $0x4  }
0x15b: {  	v15 =	vmax.f32 v15, v14;
	v14 =	vadd.f32 v16, v14  }
0x15c: {  	[tilespmem:s9+$0x20] =	vst v15;
	v15 =	vld [tilespmem:s9+$0x30]  }
0x15d: {  	[tilespmem:s9+$0xA820] =	vst v14;
	v14 =	vld [tilespmem:s9+$0xA830]  }
0x15e: {  	v16 =	vld [tilespmem:s6+$0x30];
	_ =	sdelay $0x4  }
0x15f: {  	v15 =	vmax.f32 v15, v16;
	v14 =	vadd.f32 v14, v16  }
0x160: {  	[tilespmem:s9+$0x30] =	vst v15;
	v15 =	vld [tilespmem:s9+$0x40]  }
0x161: {  	[tilespmem:s9+$0xA830] =	vst v14;
	v14 =	vld [tilespmem:s9+$0xA840]  }
0x162: {  	v16 =	vld [tilespmem:s6+$0x40];
	_ =	sdelay $0x4  }
0x163: {  	v15 =	vmax.f32 v15, v16;
	v14 =	vadd.f32 v14, v16  }
0x164: {  	[tilespmem:s9+$0x40] =	vst v15;
	v15 =	vld [tilespmem:s9+$0x50]  }
0x165: {  	[tilespmem:s9+$0xA840] =	vst v14;
	v14 =	vld [tilespmem:s9+$0xA850]  }
0x166: {  	v16 =	vld [tilespmem:s6+$0x50];
	_ =	sdelay $0x4  }
0x167: {  	v15 =	vmax.f32 v15, v16;
	v14 =	vadd.f32 v14, v16  }
0x168: {  	[tilespmem:s9+$0x50] =	vst v15;
	v15 =	vld [tilespmem:s9+$0x60]  }
0x169: {  	[tilespmem:s9+$0xA850] =	vst v14;
	v14 =	vld [tilespmem:s9+$0xA860]  }
0x16a: {  	v16 =	vld [tilespmem:s6+$0x60];
	_ =	sdelay $0x4  }
0x16b: {  	v15 =	vmax.f32 v15, v16;
	v14 =	vadd.f32 v14, v16  }
0x16c: {  	[tilespmem:s9+$0x60] =	vst v15;
	v15 =	vld [tilespmem:s9+$0x70]  }
0x16d: {  	[tilespmem:s9+$0xA860] =	vst v14;
	v14 =	vld [tilespmem:s9+$0xA870]  }
0x16e: {  	v16 =	vld [tilespmem:s6+$0x70];
	_ =	sdelay $0x4  }
0x16f: {  	v15 =	vmax.f32 v15, v16;
	v14 =	vadd.f32 v14, v16  }
0x170: {  	[tilespmem:s9+$0x70] =	vst v15;
	v15 =	vld [tilespmem:s9+$0x400]  }
0x171: {  	[tilespmem:s9+$0xA870] =	vst v14;
	v14 =	vld [tilespmem:s9+$0xAC00]  }
0x172: {  	v16 =	vld [tilespmem:s6+$0x400];
	_ =	sdelay $0x4  }
0x173: {  	v15 =	vmax.f32 v15, v16;
	v14 =	vadd.f32 v14, v16  }
0x174: {  	[tilespmem:s9+$0x400] =	vst v15;
	v15 =	vld [tilespmem:s9+$0x410]  }
0x175: {  	[tilespmem:s9+$0xAC00] =	vst v14;
	v14 =	vld [tilespmem:s9+$0xAC10]  }
0x176: {  	v16 =	vld [tilespmem:s6+$0x410];
	_ =	sdelay $0x4  }
0x177: {  	v15 =	vmax.f32 v15, v16;
	v14 =	vadd.f32 v14, v16  }
0x178: {  	[tilespmem:s9+$0x410] =	vst v15;
	v15 =	vld [tilespmem:s9+$0x420]  }
0x179: {  	[tilespmem:s9+$0xAC10] =	vst v14;
	v14 =	vld [tilespmem:s9+$0xAC20]  }
0x17a: {  	v16 =	vld [tilespmem:s6+$0x420];
	_ =	sdelay $0x4  }
0x17b: {  	v15 =	vmax.f32 v15, v16;
	v14 =	vadd.f32 v14, v16  }
0x17c: {  	[tilespmem:s9+$0x420] =	vst v15;
	v15 =	vld [tilespmem:s9+$0x430]  }
0x17d: {  	[tilespmem:s9+$0xAC20] =	vst v14;
	v14 =	vld [tilespmem:s9+$0xAC30]  }
0x17e: {  	v16 =	vld [tilespmem:s6+$0x430];
	_ =	sdelay $0x4  }
0x17f: {  	v15 =	vmax.f32 v15, v16;
	v14 =	vadd.f32 v14, v16  }
0x180: {  	[tilespmem:s9+$0x430] =	vst v15;
	v15 =	vld [tilespmem:s9+$0x440]  }
0x181: {  	[tilespmem:s9+$0xAC30] =	vst v14;
	v14 =	vld [tilespmem:s9+$0xAC40]  }
0x182: {  	v16 =	vld [tilespmem:s6+$0x440];
	_ =	sdelay $0x4  }
0x183: {  	v15 =	vmax.f32 v15, v16;
	v14 =	vadd.f32 v14, v16  }
0x184: {  	[tilespmem:s9+$0x440] =	vst v15;
	v15 =	vld [tilespmem:s9+$0x450]  }
0x185: {  	[tilespmem:s9+$0xAC40] =	vst v14;
	v14 =	vld [tilespmem:s9+$0xAC50]  }
0x186: {  	v16 =	vld [tilespmem:s6+$0x450];
	_ =	sdelay $0x4  }
0x187: {  	v15 =	vmax.f32 v15, v16;
	v14 =	vadd.f32 v14, v16  }
0x188: {  	[tilespmem:s9+$0x450] =	vst v15;
	v15 =	vld [tilespmem:s9+$0x460]  }
0x189: {  	[tilespmem:s9+$0xAC50] =	vst v14;
	v14 =	vld [tilespmem:s9+$0xAC60]  }
0x18a: {  	v16 =	vld [tilespmem:s6+$0x460];
	_ =	sdelay $0x3  }
.Ltmp5:
0x18b: {  	(pc) =	sbr.rel @p1 .LBB2_9-.Ltmp5, $4  }
0x18c: {  	v15 =	vmax.f32 v15, v16;
	v16 =	vadd.f32 v14, v16  }
0x18d: {  	[tilespmem:s9+$0x460] =	vst v15;
	v14 =	vld [tilespmem:s9+$0x470]  }
0x18e: {  	[tilespmem:s9+$0xAC60] =	vst v16;
	v15 =	vld [tilespmem:s9+$0xAC70]  }
0x18f: {  	v16 =	vld [tilespmem:s6+$0x470]  }
0x190: {  	s4 =	sadd.s32 $0x1, s4  }
0x191: {  	p1 =	sne.s32 s4, s30  }
.Ltmp6:
0x192: {  	_ = 	snop;
	(pc) =	sbr.rel @p1 .LBB2_8-.Ltmp6, $4  }
.Ltmp7:
0x193: {  	_ = 	snop;
	(pc) =	sbr.rel @!p1 .LBB2_11-.Ltmp7, $4  }
0x194: {  	v14 =	vmax.f32 v14, v16;
	v15 =	vadd.f32 v15, v16  }
0x195: {  	[tilespmem:s9+$0x470] =	vst v14  }
0x196: {  	s3 =	sadd.s32 $0x40, s3;
	[tilespmem:s9+$0xAC70] =	vst v15  }
0x197: {  	_ = 	snop  }
.LBB2_12:
0x198: {  	s1 =	simm.s32 $0x0  }
0x199: {  	s3 =	sand.u32 $0xF800, s1;
	s1 =	sand.u32 $0x380, s1  }
0x19a: {  	s1 =	sor.u32 s1, s3  }
0x19b: {  	v13 =	vld [tilespmem:s1+$0x0]  }
0x19c: {  	v14 =	vld [tilespmem:s1+$0x10]  }
0x19d: {  	v15 =	vld [tilespmem:s1+$0x20]  }
0x19e: {  	v17 =	vld [tilespmem:s1+$0x30]  }
0x19f: {  	v18 =	vld [tilespmem:s1+$0x40]  }
0x1a0: {  	v19 =	vld [tilespmem:s1+$0x50];
	vm4 =	veq.f32 v13, $-Inf  }
0x1a1: {  	v20 =	vld [tilespmem:s1+$0x60];
	v13 =	vsel vm4, $0x0, v13;
	vm4 =	veq.f32 v14, $-Inf  }
0x1a2: {  	v21 =	vld [tilespmem:s1+$0x70];
	[tilespmem:s1+$0x0] =	vst v13;
	v13 =	vsel vm4, $0x0, v14;
	vm4 =	veq.f32 v15, $-Inf  }
0x1a3: {  	v16 =	vld [tilespmem:s1+$0x400];
	[tilespmem:s1+$0x10] =	vst v13;
	v13 =	vsel vm4, $0x0, v15;
	vm4 =	veq.f32 v17, $-Inf  }
0x1a4: {  	v14 =	vld [tilespmem:s1+$0x410];
	[tilespmem:s1+$0x20] =	vst v13;
	v13 =	vsel vm4, $0x0, v17;
	vm4 =	veq.f32 v18, $-Inf  }
0x1a5: {  	[tilespmem:s1+$0x30] =	vst v13;
	v15 =	vsel vm4, $0x0, v18;
	vm4 =	veq.f32 v19, $-Inf;
	v13 =	vld [tilespmem:s1+$0x420]  }
0x1a6: {  	[tilespmem:s1+$0x40] =	vst v15;
	v17 =	vsel vm4, $0x0, v19;
	vm4 =	veq.f32 v20, $-Inf;
	v15 =	vld [tilespmem:s1+$0x430]  }
0x1a7: {  	[tilespmem:s1+$0x50] =	vst v17;
	v18 =	vsel vm4, $0x0, v20;
	vm4 =	veq.f32 v21, $-Inf;
	v17 =	vld [tilespmem:s1+$0x440]  }
0x1a8: {  	s4 =	simm.s32 $0x100;
	s3 =	simm.s32 $0x80;
	[tilespmem:s1+$0x60] =	vst v18;
	v19 =	vsel vm4, $0x0, v21;
	vm4 =	veq.f32 v16, $-Inf;
	v18 =	vld [tilespmem:s1+$0x450]  }
.LBB2_13:
0x1a9: {  	s6 =	sand.u32 $0xF800, s4;
	s7 =	sand.u32 $0x380, s3;
	p1 =	sne.s32 s4, $0x9F00;
	[tilespmem:s1+$0x70] =	vst v19;
	v16 =	vsel vm4, $0x0, v16;
	vm4 =	veq.f32 v14, $-Inf;
	v19 =	vld [tilespmem:s1+$0x460]  }
0x1aa: {  	s6 =	sor.u32 s7, s6;
	[tilespmem:s1+$0x400] =	vst v16;
	v14 =	vsel vm4, $0x0, v14;
	vm4 =	veq.f32 v13, $-Inf;
	v16 =	vld [tilespmem:s1+$0x470]  }
0x1ab: {  	v20 =	vld [tilespmem:s6+$0x0];
	[tilespmem:s1+$0x410] =	vst v14;
	v13 =	vsel vm4, $0x0, v13;
	vm4 =	veq.f32 v15, $-Inf  }
0x1ac: {  	v14 =	vld [tilespmem:s6+$0x10];
	[tilespmem:s1+$0x420] =	vst v13;
	v13 =	vsel vm4, $0x0, v15;
	vm4 =	veq.f32 v17, $-Inf  }
0x1ad: {  	v15 =	vld [tilespmem:s6+$0x20];
	[tilespmem:s1+$0x430] =	vst v13;
	v13 =	vsel vm4, $0x0, v17;
	vm4 =	veq.f32 v18, $-Inf  }
0x1ae: {  	v17 =	vld [tilespmem:s6+$0x30];
	[tilespmem:s1+$0x440] =	vst v13;
	v13 =	vsel vm4, $0x0, v18;
	vm4 =	veq.f32 v19, $-Inf  }
0x1af: {  	v18 =	vld [tilespmem:s6+$0x40];
	[tilespmem:s1+$0x450] =	vst v13;
	v13 =	vsel vm4, $0x0, v19;
	vm4 =	veq.f32 v16, $-Inf  }
0x1b0: {  	vm5 =	veq.f32 v20, $-Inf;
	v19 =	vld [tilespmem:s6+$0x50];
	[tilespmem:s1+$0x460] =	vst v13;
	v13 =	vsel vm4, $0x0, v16  }
0x1b1: {  	v16 =	vsel vm5, $0x0, v20;
	vm4 =	veq.f32 v14, $-Inf;
	v20 =	vld [tilespmem:s6+$0x60];
	[tilespmem:s1+$0x470] =	vst v13;
	s1 =	smov.u32 s6  }
0x1b2: {  	[tilespmem:s1+$0x0] =	vst v16;
	v13 =	vsel vm4, $0x0, v14;
	vm4 =	veq.f32 v15, $-Inf;
	v21 =	vld [tilespmem:s1+$0x70]  }
0x1b3: {  	[tilespmem:s1+$0x10] =	vst v13;
	v13 =	vsel vm4, $0x0, v15;
	vm4 =	veq.f32 v17, $-Inf;
	v16 =	vld [tilespmem:s1+$0x400]  }
.Ltmp8:
0x1b4: {  	[tilespmem:s1+$0x20] =	vst v13;
	v13 =	vsel vm4, $0x0, v17;
	vm4 =	veq.f32 v18, $-Inf;
	v14 =	vld [tilespmem:s1+$0x410];
	(pc) =	sbr.rel @p1 .LBB2_13-.Ltmp8, $4  }
0x1b5: {  	[tilespmem:s1+$0x30] =	vst v13;
	v15 =	vsel vm4, $0x0, v18;
	vm4 =	veq.f32 v19, $-Inf;
	v13 =	vld [tilespmem:s1+$0x420]  }
0x1b6: {  	[tilespmem:s1+$0x40] =	vst v15;
	v17 =	vsel vm4, $0x0, v19;
	vm4 =	veq.f32 v20, $-Inf;
	v15 =	vld [tilespmem:s1+$0x430]  }
0x1b7: {  	[tilespmem:s1+$0x50] =	vst v17;
	v18 =	vsel vm4, $0x0, v20;
	vm4 =	veq.f32 v21, $-Inf;
	v17 =	vld [tilespmem:s1+$0x440]  }
0x1b8: {  	s3 =	sadd.s32 $0x80, s3;
	s4 =	sadd.s32 $0x100, s4;
	[tilespmem:s1+$0x60] =	vst v18;
	v19 =	vsel vm4, $0x0, v21;
	vm4 =	veq.f32 v16, $-Inf;
	v18 =	vld [tilespmem:s1+$0x450]  }
0x1b9: {  	[tilespmem:s1+$0x70] =	vst v19;
	v16 =	vsel vm4, $0x0, v16;
	vm4 =	veq.f32 v14, $-Inf;
	v62 =	vld [tilespmem:s1+$0x460]  }
0x1ba: {  	v63 =	vld [tilespmem:s1+$0x470];
	[tilespmem:s1+$0x400] =	vst v16;
	v14 =	vsel vm4, $0x0, v14;
	vm4 =	veq.f32 v13, $-Inf  }
0x1bb: {  	[tilespmem:s1+$0x410] =	vst v14;
	v13 =	vsel vm4, $0x0, v13;
	vm4 =	veq.f32 v15, $-Inf  }
0x1bc: {  	[tilespmem:s1+$0x420] =	vst v13;
	v13 =	vsel vm4, $0x0, v15;
	vm4 =	veq.f32 v17, $-Inf  }
0x1bd: {  	[tilespmem:s1+$0x430] =	vst v13;
	v13 =	vsel vm4, $0x0, v17;
	vm4 =	veq.f32 v18, $-Inf  }
0x1be: {  	[tilespmem:s1+$0x440] =	vst v13;
	v13 =	vsel vm4, $0x0, v18;
	vm4 =	veq.f32 v62, $-Inf  }
0x1bf: {  	[tilespmem:s1+$0x450] =	vst v13;
	v13 =	vsel vm4, $0x0, v62;
	vm4 =	veq.f32 v63, $-Inf  }
0x1c0: {  	s3 =	sshll.u32 s26, $0x5;
	s26 =	rddreg [dreg:$0x5];
	[tilespmem:s1+$0x460] =	vst v13;
	v13 =	vsel vm4, $0x0, v63  }
0x1c1: {  	s4 =	simm.s32 $0x0;
	[tilespmem:s1+$0x470] =	vst v13;
	s1 =	sadd.s32 s26, s3  }
0x1c2: {  	[hbm4b:s1+s4] =	stream.linear.scatter [tilespmem:s4], [sflag:$0x2], $0xA000, $0x38;
	[tilespmem:$0x1B100] =	vst v63  }
0x1c3: {  	_ =	swait.ge [sflag:s11], $0xA000  }
0x1c4: {  	s30 =	simm.s32 $0xA800;
	[sflag:s11] =	ssyncset.done $0x0;
	s29 =	rddreg [dreg:$0x4]  }
.Ltmp9:
0x1c5: {  	[sflag:s11] =	ssyncadd.s32 $0xFFFF6000;
	s1 =	sadd.s32 s29, s3;
	(pc) =	sbr.rel @p0 .LBB2_2-.Ltmp9, $4  }
0x1c6: {  	[hbm4b:s1+s4] =	stream.linear.scatter [tilespmem:s30], [sflag:$0x2], $0xA000, $0x38;
	[tilespmem:$0x1B100] =	vst v63  }
0x1c7: {  	_ =	swait.ge [sflag:s11], $0xA000  }
0x1c8: {  	[sflag:s11] =	ssyncset.done $0x0  }
0x1c9: {  	p1 =	por $0x0, $0x0;
	s1 =	simm.s32 $0x1400;
	[sflag:s11] =	ssyncadd.s32 $0xFFFF6000  }
0x1ca: {  	s3 =	rddreg [dreg:$0x8]  }
0x1cb: {  	s1 =	rddreg [dreg:$0x7];
	s3 =	sadd.s32 $0x1, s3  }
0x1cc: {  	p0 =	sne.s32 s3, s1  }
.Ltmp10:
0x1cd: {  	_ = 	snop;
	(pc) =	sbr.rel @p0 .LBB2_1-.Ltmp10, $1  }
0x1ce: {  	_ =	sdelay $0x3  }
0x1cf: {  	_ =	sfence.sel $0x180000  }
0x1d0: {  	[bflag:$0x0] =	sbarrier.arrive $0xFFFF  }
0x1d1: {  	_ =	strace $0x90000047  }
0x1d2: {  	s0 =	stileid.u32;
	[bflag:$0x2] =	sbarrier.arrive $0xFFFF  }
0x1d3: {  	p0 =	sne.s32 s0, $0x0;
	s0 =	rddreg [dreg:$0x3]  }
0x1d4: {  	s0 =	sadd.s32 @!p0 $0x100000, s0  }
0x1d5: {  	[sflag:s0] =	ssyncadd.tile.s32 @!p0 $0x1;
	_ =	shalt  }
.Lfunc_end2:
_tile_overlayer_lowered:
.L_overlay_start_2:
0x1d6: {  	(tag) =	ssettag $0x2  }
0x1d7: {  	s0 =	rddreg [dreg:$0x0];
	s2 =	stileid.u32  }
0x1d8: {  	s1 =	rddreg [dreg:$0x1];
	p0 =	sne.s32 s2, $0x0  }
0x1d9: {  	s3 =	rddreg [dreg:$0x2];
	[bflag:$0x3] =	sbarrier.arrive $0xFFFF;
	s2 =	simm.s32 @!p0 $0x1C02  }
0x1da: {  	[timem:s3], [sflag:s2] =	dma.local @!p0 [hbm:s0], s1  }
0x1db: {  	s0 =	simm.s32 @!p0 $0x2  }
0x1dc: {  	_ =	swait.ge @!p0 [sflag:s0], s1  }
0x1dd: {  	s1 =	ssub.s32 @!p0 $0x0, s1;
	[sflag:s0] =	ssyncset.done @!p0 $0x0  }
0x1de: {  	[sflag:s0] =	ssyncadd.s32 @!p0 s1  }
0x1df: {  	[bflag:$0x3] =	sbarrier.arrive $0xFFFF  }
0x1e0: {  	_ =	shalt  }

</sc_bundles>
